<compile_context>
chip_gen: v7x
topology: tpu7x:2x2x1
jax: 0.10.2.dev20260603
libtpu: 0.0.44.dev20260713+nightly
codegen_flags: <defaults>
</compile_context>

<pallas_src>
import functools

import jax
import jax.numpy as jnp
from jax import lax
from jax.experimental import pallas as pl
from jax.experimental.pallas import tpu as pltpu
from jax.experimental.pallas import tpu_sc as plsc

B, L = 16384, 64
NC, NS = 2, 16
NW = NC * NS
ROWS = B // NW
LANES = 16
KBITS = ROWS // LANES

_mesh = plsc.VectorSubcoreMesh(
    core_axis_name="c", subcore_axis_name="s", num_cores=NC, num_subcores=NS
)


@functools.partial(
    pl.kernel,
    out_type=(
        jax.ShapeDtypeStruct((B,), jnp.float32),
        jax.ShapeDtypeStruct((B,), jnp.int32),
    ),
    mesh=_mesh,
    scratch_types=(
        pltpu.VMEM((L, ROWS), jnp.int32),
        pltpu.VMEM((10, LANES), jnp.float32),
        pltpu.VMEM((ROWS,), jnp.float32),
        pltpu.VMEM((ROWS,), jnp.int32),
        pltpu.SemaphoreType.DMA,
        pltpu.SemaphoreType.DMA,
        pltpu.SemaphoreType.DMA,
        pltpu.SemaphoreType.DMA,
    ),
    compiler_params=pltpu.CompilerParams(needs_layout_passes=False),
)
def _sc_walk(bits_hbm, pw_hbm, pred_hbm, sym_hbm,
             bits_v, pw_v, pred_v, sym_v, sem0, sem1, sem2, sem3):
    wid = lax.axis_index("s") * NC + lax.axis_index("c")
    base = wid * ROWS
    sems = (sem0, sem1, sem2, sem3)
    nchunk = len(sems)
    csteps = L // nchunk
    copies = [
        pltpu.async_copy(
            bits_hbm.at[pl.ds(c * csteps, csteps), pl.ds(base, ROWS)],
            bits_v.at[pl.ds(c * csteps, csteps), :],
            sems[c],
        )
        for c in range(nchunk)
    ]
    pltpu.sync_copy(pw_hbm, pw_v)

    big = jnp.full((LANES,), 3.4e38, jnp.float32)
    one = jnp.full((LANES,), 1, jnp.int32)
    zero = jnp.zeros((LANES,), jnp.int32)
    ones = jnp.full((LANES,), -1, jnp.int32)
    fone = jnp.full((LANES,), 1.0, jnp.float32)

    def pair(k):
        y0 = pw_v[2 * k]
        y1 = pw_v[2 * k + 1]
        t = fone / (fone + jnp.exp(-jnp.abs(y0 - y1)))
        m = jnp.where(y1 > y0, ones, zero)
        return t, m

    ftv, s0m = pair(0)
    cells = [pair(k + 1) for k in range(4)]
    tv = [c[0] for c in cells]
    m00, m01, m10, m11 = (c[1] for c in cells)

    def step(i, carry):
        st, v00, v01, v10, v11 = carry
        vals = [bits_v[i, pl.ds(16 * k, LANES)] << k for k in range(KBITS)]
        while len(vals) > 1:
            vals = [vals[j] | vals[j + 1] for j in range(0, len(vals) - 1, 2)] + (
                [vals[-1]] if len(vals) % 2 else []
            )
        a = vals[0]
        na = ~a
        ns = ~st
        nst = (na & ((ns & m00) | (st & m01))) | (a & ((ns & m10) | (st & m11)))
        nns = ~nst
        return (nst,
                v00 | (na & nns), v01 | (na & nst),
                v10 | (a & nns), v11 | (a & nst))

    carry = (s0m, zero, zero, zero, zero)
    for c in range(nchunk):
        copies[c].wait()
        carry = lax.fori_loop(c * csteps, (c + 1) * csteps, step, carry)
    st, v00, v01, v10, v11 = carry

    vs = (v00, v01, v10, v11)

    def decode(k, carry):
        pred = ftv
        for j in range(4):
            hit = ((vs[j] >> k) & one) == one
            pred = jnp.minimum(pred, jnp.where(hit, tv[j], big))
        pred_v[pl.ds(16 * k, LANES)] = pred
        sym_v[pl.ds(16 * k, LANES)] = (st >> k) & one
        return carry

    lax.fori_loop(0, KBITS, decode, 0)

    pltpu.sync_copy(pred_v, pred_hbm.at[pl.ds(base, ROWS)])
    pltpu.sync_copy(sym_v, sym_hbm.at[pl.ds(base, ROWS)])


def kernel(binary_list, eval, weight_initial, weights):
    pw = jnp.concatenate(
        [weight_initial.reshape(-1), weights.reshape(-1)]
    )[:, None] + jnp.zeros((1, LANES), jnp.float32)
    pred, sym = _sc_walk(binary_list.T, pw)
    return pred, sym.reshape(B, 1, 1)

# --- scband reference (transcript-rebuilt; emitter-appended) ---
"""Pipeline reference for scband-parity-function-model-88854283419744 (READ-ONLY COPY).

The authoritative reference and input builder live on the scoring server;
editing this copy changes nothing except your own understanding.
"""

import jax, jax.numpy as jnp
import numpy as np


def setup_inputs(seed: int = 0) -> dict:
    key = jax.random.key(seed)
    k1, k2, k3 = jax.random.split(key, 3)
    B, L = 16384, 64
    binary_list = jax.random.randint(k1, (B, L), 0, 2, dtype=jnp.int32)
    weight_initial = jax.random.normal(k2, (1, 2), dtype=jnp.float32)
    weights = jax.random.normal(k3, (2, 2, 2), dtype=jnp.float32)
    return {"binary_list": binary_list, "eval": 1, "weight_initial": weight_initial, "weights": weights}


def reference(binary_list, eval, weight_initial, weights):
    # eval is truthy -> EpsilonGreedy returns (max values, argmax indices), deterministic path
    B = binary_list.shape[0]
    p0 = jax.nn.softmax(weight_initial, axis=1)
    p0 = jnp.tile(p0, (B, 1))  # repeat(binary_list.shape[0], 1)
    first_truth_value = jnp.max(p0, axis=-1, keepdims=True)  # [B, 1]
    previous_symbol = jnp.argmax(p0, axis=-1, keepdims=True)  # [B, 1]
    truth_values_list = [first_truth_value.reshape(-1)]
    sw = jax.nn.softmax(weights, axis=-1)  # [2, 2, 2]
    truths = jnp.max(sw, axis=-1, keepdims=True)   # [2, 2, 1]
    matrix = jnp.argmax(sw, axis=-1, keepdims=True)  # [2, 2, 1]
    for b in range(binary_list.shape[1]):
        a = binary_list[:, b].reshape(-1, 1)  # [B, 1]
        previous_symbol = matrix[a, previous_symbol.reshape(-1, 1)]  # [B, 1, 1]
        truth_values_list.append(
            truths[binary_list[:, b], jnp.squeeze(previous_symbol)].reshape(-1, 1)
        )
    symbols_truth_values = jnp.concatenate([t.reshape(-1, 1) for t in truth_values_list], axis=1)  # [B, L+1]
    predictions_truth_values = jnp.min(symbols_truth_values, axis=1)  # [B]
    return (predictions_truth_values, previous_symbol)

if __name__ == "__main__":
    import jax
    _d = setup_inputs()
    print(jax.jit(kernel)(*tuple(_d.values())))

</pallas_src>

<mosaic_0001>
#map = affine_map<(d0, d1) -> (0, 0)>
#map1 = affine_map<(d0, d1) -> (0)>
module attributes {stable_mosaic.version = 14 : i64} {
  func.func @_sc_walk(%arg0: i32, %arg1: i32, %arg2: memref<64x16384xi32, #tpu.memory_space<hbm>>, %arg3: memref<10x16xf32, #tpu.memory_space<hbm>>, %arg4: memref<16384xf32, #tpu.memory_space<hbm>>, %arg5: memref<16384xi32, #tpu.memory_space<hbm>>, %arg6: memref<64x512xi32, #tpu.memory_space<vmem>>, %arg7: memref<10x16xf32, #tpu.memory_space<vmem>>, %arg8: memref<512xf32, #tpu.memory_space<vmem>>, %arg9: memref<512xi32, #tpu.memory_space<vmem>>, %arg10: memref<!tpu.dma_semaphore, #tpu.memory_space<semaphore_mem>>, %arg11: memref<!tpu.dma_semaphore, #tpu.memory_space<semaphore_mem>>, %arg12: memref<!tpu.dma_semaphore, #tpu.memory_space<semaphore_mem>>, %arg13: memref<!tpu.dma_semaphore, #tpu.memory_space<semaphore_mem>>) attributes {dimension_semantics = [#tpu.dimension_semantics<core_parallel>, #tpu.dimension_semantics<subcore_parallel>], iteration_bounds = array<i64: 2, 16>, scalar_prefetch = 0 : i64, scratch_operands = 8 : i64, tpu.core_type = #tpu.core_type<sc_vector_subcore>, window_params = [{transform_indices = #map}, {transform_indices = #map}, {transform_indices = #map1}, {transform_indices = #map1}]} {
    %mul3A = arith.constant 2 : i32
    %mul3A_0 = arith.muli %arg1, %mul3A : i32
    %add3A = arith.addi %mul3A_0, %arg0 : i32
    %mul3A_1 = arith.constant 512 : i32
    %mul3A_2 = arith.muli %add3A, %mul3A_1 : i32
    %dma_start3A = arith.constant 0 : i32
    %dma_start3A_3 = arith.constant 0 : i32
    %dma_start3A_4 = tpu.memref_slice %arg6[%dma_start3A, %dma_start3A_3] : memref<64x512xi32, #tpu.memory_space<vmem>> -> memref<16x512xi32, #tpu.memory_space<vmem>>
    %dma_start3A_5 = arith.constant 0 : i32
    %dma_start3A_6 = tpu.memref_slice %arg2[%dma_start3A_5, %mul3A_2] : memref<64x16384xi32, #tpu.memory_space<hbm>> -> memref<16x512xi32, #tpu.memory_space<hbm>>
    %dma_start3A_7 = arith.constant 0 : i32
    %dma_start3A_8 = arith.constant 0 : i32
    %dma_start3A_9 = tpu.memref_slice %arg6[%dma_start3A_7, %dma_start3A_8] : memref<64x512xi32, #tpu.memory_space<vmem>> -> memref<16x512xi32, #tpu.memory_space<vmem>>
    %dma_start3A_10 = arith.constant 0 : i32
    %dma_start3A_11 = tpu.memref_slice %arg2[%dma_start3A_10, %mul3A_2] : memref<64x16384xi32, #tpu.memory_space<hbm>> -> memref<16x512xi32, #tpu.memory_space<hbm>>
    tpu.enqueue_dma source(%dma_start3A_11 : memref<16x512xi32, #tpu.memory_space<hbm>>) target(%dma_start3A_9 : memref<16x512xi32, #tpu.memory_space<vmem>>) target_semaphore(%arg10 : memref<!tpu.dma_semaphore, #tpu.memory_space<semaphore_mem>>)
    %dma_start3A_12 = arith.constant 16 : i32
    %dma_start3A_13 = arith.constant 0 : i32
    %dma_start3A_14 = tpu.memref_slice %arg6[%dma_start3A_12, %dma_start3A_13] : memref<64x512xi32, #tpu.memory_space<vmem>> -> memref<16x512xi32, #tpu.memory_space<vmem>>
    %dma_start3A_15 = arith.constant 16 : i32
    %dma_start3A_16 = tpu.memref_slice %arg2[%dma_start3A_15, %mul3A_2] : memref<64x16384xi32, #tpu.memory_space<hbm>> -> memref<16x512xi32, #tpu.memory_space<hbm>>
    %dma_start3A_17 = arith.constant 16 : i32
    %dma_start3A_18 = arith.constant 0 : i32
    %dma_start3A_19 = tpu.memref_slice %arg6[%dma_start3A_17, %dma_start3A_18] : memref<64x512xi32, #tpu.memory_space<vmem>> -> memref<16x512xi32, #tpu.memory_space<vmem>>
    %dma_start3A_20 = arith.constant 16 : i32
    %dma_start3A_21 = tpu.memref_slice %arg2[%dma_start3A_20, %mul3A_2] : memref<64x16384xi32, #tpu.memory_space<hbm>> -> memref<16x512xi32, #tpu.memory_space<hbm>>
    tpu.enqueue_dma source(%dma_start3A_21 : memref<16x512xi32, #tpu.memory_space<hbm>>) target(%dma_start3A_19 : memref<16x512xi32, #tpu.memory_space<vmem>>) target_semaphore(%arg11 : memref<!tpu.dma_semaphore, #tpu.memory_space<semaphore_mem>>)
    %dma_start3A_22 = arith.constant 32 : i32
    %dma_start3A_23 = arith.constant 0 : i32
    %dma_start3A_24 = tpu.memref_slice %arg6[%dma_start3A_22, %dma_start3A_23] : memref<64x512xi32, #tpu.memory_space<vmem>> -> memref<16x512xi32, #tpu.memory_space<vmem>>
    %dma_start3A_25 = arith.constant 32 : i32
    %dma_start3A_26 = tpu.memref_slice %arg2[%dma_start3A_25, %mul3A_2] : memref<64x16384xi32, #tpu.memory_space<hbm>> -> memref<16x512xi32, #tpu.memory_space<hbm>>
    %dma_start3A_27 = arith.constant 32 : i32
    %dma_start3A_28 = arith.constant 0 : i32
    %dma_start3A_29 = tpu.memref_slice %arg6[%dma_start3A_27, %dma_start3A_28] : memref<64x512xi32, #tpu.memory_space<vmem>> -> memref<16x512xi32, #tpu.memory_space<vmem>>
    %dma_start3A_30 = arith.constant 32 : i32
    %dma_start3A_31 = tpu.memref_slice %arg2[%dma_start3A_30, %mul3A_2] : memref<64x16384xi32, #tpu.memory_space<hbm>> -> memref<16x512xi32, #tpu.memory_space<hbm>>
    tpu.enqueue_dma source(%dma_start3A_31 : memref<16x512xi32, #tpu.memory_space<hbm>>) target(%dma_start3A_29 : memref<16x512xi32, #tpu.memory_space<vmem>>) target_semaphore(%arg12 : memref<!tpu.dma_semaphore, #tpu.memory_space<semaphore_mem>>)
    %dma_start3A_32 = arith.constant 48 : i32
    %dma_start3A_33 = arith.constant 0 : i32
    %dma_start3A_34 = tpu.memref_slice %arg6[%dma_start3A_32, %dma_start3A_33] : memref<64x512xi32, #tpu.memory_space<vmem>> -> memref<16x512xi32, #tpu.memory_space<vmem>>
    %dma_start3A_35 = arith.constant 48 : i32
    %dma_start3A_36 = tpu.memref_slice %arg2[%dma_start3A_35, %mul3A_2] : memref<64x16384xi32, #tpu.memory_space<hbm>> -> memref<16x512xi32, #tpu.memory_space<hbm>>
    %dma_start3A_37 = arith.constant 48 : i32
    %dma_start3A_38 = arith.constant 0 : i32
    %dma_start3A_39 = tpu.memref_slice %arg6[%dma_start3A_37, %dma_start3A_38] : memref<64x512xi32, #tpu.memory_space<vmem>> -> memref<16x512xi32, #tpu.memory_space<vmem>>
    %dma_start3A_40 = arith.constant 48 : i32
    %dma_start3A_41 = tpu.memref_slice %arg2[%dma_start3A_40, %mul3A_2] : memref<64x16384xi32, #tpu.memory_space<hbm>> -> memref<16x512xi32, #tpu.memory_space<hbm>>
    tpu.enqueue_dma source(%dma_start3A_41 : memref<16x512xi32, #tpu.memory_space<hbm>>) target(%dma_start3A_39 : memref<16x512xi32, #tpu.memory_space<vmem>>) target_semaphore(%arg13 : memref<!tpu.dma_semaphore, #tpu.memory_space<semaphore_mem>>)
    "tpu.region"() ({
      %run_scoped3A = tpu.sem_alloc : memref<!tpu.dma_semaphore, #tpu.memory_space<semaphore_mem>>
      tpu.enqueue_dma source(%arg3 : memref<10x16xf32, #tpu.memory_space<hbm>>) target(%arg7 : memref<10x16xf32, #tpu.memory_space<vmem>>) target_semaphore(%run_scoped3A : memref<!tpu.dma_semaphore, #tpu.memory_space<semaphore_mem>>)
      tpu.wait_dma2 semaphore(%run_scoped3A : memref<!tpu.dma_semaphore, #tpu.memory_space<semaphore_mem>>) src(%arg3 : memref<10x16xf32, #tpu.memory_space<hbm>>) dst(%arg7 : memref<10x16xf32, #tpu.memory_space<vmem>>)
      tpu.yield
    }) : () -> ()
    %broadcast_in_dim3A = arith.constant 3.400000e+38 : f32
    %broadcast_in_dim3A_42 = vector.broadcast %broadcast_in_dim3A : f32 to vector<16xf32>
    %broadcast_in_dim3A_43 = arith.constant 1 : i32
    %broadcast_in_dim3A_44 = vector.broadcast %broadcast_in_dim3A_43 : i32 to vector<16xi32>
    %broadcast_in_dim3A_45 = arith.constant 0 : i32
    %broadcast_in_dim3A_46 = vector.broadcast %broadcast_in_dim3A_45 : i32 to vector<16xi32>
    %broadcast_in_dim3A_47 = arith.constant -1 : i32
    %broadcast_in_dim3A_48 = vector.broadcast %broadcast_in_dim3A_47 : i32 to vector<16xi32>
    %broadcast_in_dim3A_49 = arith.constant 1.000000e+00 : f32
    %broadcast_in_dim3A_50 = vector.broadcast %broadcast_in_dim3A_49 : f32 to vector<16xf32>
    %get3A = arith.constant 0 : i32
    %get3A_51 = arith.index_cast %get3A : i32 to index
    %get3A_52 = arith.constant 0 : index
    %get3A_53 = tpu.vector_load %arg7[%get3A_51, %get3A_52] {strides = array<i32>} : memref<10x16xf32, #tpu.memory_space<vmem>>, vector<16xf32>,
    %get3A_54 = arith.constant 1 : i32
    %get3A_55 = arith.index_cast %get3A_54 : i32 to index
    %get3A_56 = arith.constant 0 : index
    %get3A_57 = tpu.vector_load %arg7[%get3A_55, %get3A_56] {strides = array<i32>} : memref<10x16xf32, #tpu.memory_space<vmem>>, vector<16xf32>,
    %sub3A = arith.subf %get3A_53, %get3A_57 : vector<16xf32>
    %abs3A = math.absf %sub3A : vector<16xf32>
    %neg3A = arith.constant 0.000000e+00 : f32
    %neg3A_58 = vector.broadcast %neg3A : f32 to vector<16xf32>
    %neg3A_59 = arith.subf %neg3A_58, %abs3A : vector<16xf32>
    %exp3A = math.exp %neg3A_59 : vector<16xf32>
    %add3A_60 = arith.addf %broadcast_in_dim3A_50, %exp3A : vector<16xf32>
    %div3A = arith.divf %broadcast_in_dim3A_50, %add3A_60 : vector<16xf32>
    %gt3A = arith.cmpf ogt, %get3A_57, %get3A_53 : vector<16xf32>
    %select_n3A = arith.select %gt3A, %broadcast_in_dim3A_48, %broadcast_in_dim3A_46 : vector<16xi1>, vector<16xi32>
    %get3A_61 = arith.constant 2 : i32
    %get3A_62 = arith.index_cast %get3A_61 : i32 to index
    %get3A_63 = arith.constant 0 : index
    %get3A_64 = tpu.vector_load %arg7[%get3A_62, %get3A_63] {strides = array<i32>} : memref<10x16xf32, #tpu.memory_space<vmem>>, vector<16xf32>,
    %get3A_65 = arith.constant 3 : i32
    %get3A_66 = arith.index_cast %get3A_65 : i32 to index
    %get3A_67 = arith.constant 0 : index
    %get3A_68 = tpu.vector_load %arg7[%get3A_66, %get3A_67] {strides = array<i32>} : memref<10x16xf32, #tpu.memory_space<vmem>>, vector<16xf32>,
    %sub3A_69 = arith.subf %get3A_64, %get3A_68 : vector<16xf32>
    %abs3A_70 = math.absf %sub3A_69 : vector<16xf32>
    %neg3A_71 = arith.constant 0.000000e+00 : f32
    %neg3A_72 = vector.broadcast %neg3A_71 : f32 to vector<16xf32>
    %neg3A_73 = arith.subf %neg3A_72, %abs3A_70 : vector<16xf32>
    %exp3A_74 = math.exp %neg3A_73 : vector<16xf32>
    %add3A_75 = arith.addf %broadcast_in_dim3A_50, %exp3A_74 : vector<16xf32>
    %div3A_76 = arith.divf %broadcast_in_dim3A_50, %add3A_75 : vector<16xf32>
    %gt3A_77 = arith.cmpf ogt, %get3A_68, %get3A_64 : vector<16xf32>
    %select_n3A_78 = arith.select %gt3A_77, %broadcast_in_dim3A_48, %broadcast_in_dim3A_46 : vector<16xi1>, vector<16xi32>
    %get3A_79 = arith.constant 4 : i32
    %get3A_80 = arith.index_cast %get3A_79 : i32 to index
    %get3A_81 = arith.constant 0 : index
    %get3A_82 = tpu.vector_load %arg7[%get3A_80, %get3A_81] {strides = array<i32>} : memref<10x16xf32, #tpu.memory_space<vmem>>, vector<16xf32>,
    %get3A_83 = arith.constant 5 : i32
    %get3A_84 = arith.index_cast %get3A_83 : i32 to index
    %get3A_85 = arith.constant 0 : index
    %get3A_86 = tpu.vector_load %arg7[%get3A_84, %get3A_85] {strides = array<i32>} : memref<10x16xf32, #tpu.memory_space<vmem>>, vector<16xf32>,
    %sub3A_87 = arith.subf %get3A_82, %get3A_86 : vector<16xf32>
    %abs3A_88 = math.absf %sub3A_87 : vector<16xf32>
    %neg3A_89 = arith.constant 0.000000e+00 : f32
    %neg3A_90 = vector.broadcast %neg3A_89 : f32 to vector<16xf32>
    %neg3A_91 = arith.subf %neg3A_90, %abs3A_88 : vector<16xf32>
    %exp3A_92 = math.exp %neg3A_91 : vector<16xf32>
    %add3A_93 = arith.addf %broadcast_in_dim3A_50, %exp3A_92 : vector<16xf32>
    %div3A_94 = arith.divf %broadcast_in_dim3A_50, %add3A_93 : vector<16xf32>
    %gt3A_95 = arith.cmpf ogt, %get3A_86, %get3A_82 : vector<16xf32>
    %select_n3A_96 = arith.select %gt3A_95, %broadcast_in_dim3A_48, %broadcast_in_dim3A_46 : vector<16xi1>, vector<16xi32>
    %get3A_97 = arith.constant 6 : i32
    %get3A_98 = arith.index_cast %get3A_97 : i32 to index
    %get3A_99 = arith.constant 0 : index
    %get3A_100 = tpu.vector_load %arg7[%get3A_98, %get3A_99] {strides = array<i32>} : memref<10x16xf32, #tpu.memory_space<vmem>>, vector<16xf32>,
    %get3A_101 = arith.constant 7 : i32
    %get3A_102 = arith.index_cast %get3A_101 : i32 to index
    %get3A_103 = arith.constant 0 : index
    %get3A_104 = tpu.vector_load %arg7[%get3A_102, %get3A_103] {strides = array<i32>} : memref<10x16xf32, #tpu.memory_space<vmem>>, vector<16xf32>,
    %sub3A_105 = arith.subf %get3A_100, %get3A_104 : vector<16xf32>
    %abs3A_106 = math.absf %sub3A_105 : vector<16xf32>
    %neg3A_107 = arith.constant 0.000000e+00 : f32
    %neg3A_108 = vector.broadcast %neg3A_107 : f32 to vector<16xf32>
    %neg3A_109 = arith.subf %neg3A_108, %abs3A_106 : vector<16xf32>
    %exp3A_110 = math.exp %neg3A_109 : vector<16xf32>
    %add3A_111 = arith.addf %broadcast_in_dim3A_50, %exp3A_110 : vector<16xf32>
    %div3A_112 = arith.divf %broadcast_in_dim3A_50, %add3A_111 : vector<16xf32>
    %gt3A_113 = arith.cmpf ogt, %get3A_104, %get3A_100 : vector<16xf32>
    %select_n3A_114 = arith.select %gt3A_113, %broadcast_in_dim3A_48, %broadcast_in_dim3A_46 : vector<16xi1>, vector<16xi32>
    %get3A_115 = arith.constant 8 : i32
    %get3A_116 = arith.index_cast %get3A_115 : i32 to index
    %get3A_117 = arith.constant 0 : index
    %get3A_118 = tpu.vector_load %arg7[%get3A_116, %get3A_117] {strides = array<i32>} : memref<10x16xf32, #tpu.memory_space<vmem>>, vector<16xf32>,
    %get3A_119 = arith.constant 9 : i32
    %get3A_120 = arith.index_cast %get3A_119 : i32 to index
    %get3A_121 = arith.constant 0 : index
    %get3A_122 = tpu.vector_load %arg7[%get3A_120, %get3A_121] {strides = array<i32>} : memref<10x16xf32, #tpu.memory_space<vmem>>, vector<16xf32>,
    %sub3A_123 = arith.subf %get3A_118, %get3A_122 : vector<16xf32>
    %abs3A_124 = math.absf %sub3A_123 : vector<16xf32>
    %neg3A_125 = arith.constant 0.000000e+00 : f32
    %neg3A_126 = vector.broadcast %neg3A_125 : f32 to vector<16xf32>
    %neg3A_127 = arith.subf %neg3A_126, %abs3A_124 : vector<16xf32>
    %exp3A_128 = math.exp %neg3A_127 : vector<16xf32>
    %add3A_129 = arith.addf %broadcast_in_dim3A_50, %exp3A_128 : vector<16xf32>
    %div3A_130 = arith.divf %broadcast_in_dim3A_50, %add3A_129 : vector<16xf32>
    %gt3A_131 = arith.cmpf ogt, %get3A_122, %get3A_118 : vector<16xf32>
    %select_n3A_132 = arith.select %gt3A_131, %broadcast_in_dim3A_48, %broadcast_in_dim3A_46 : vector<16xi1>, vector<16xi32>
    %dma_wait3A = arith.constant 0 : i32
    %dma_wait3A_133 = arith.constant 0 : i32
    %dma_wait3A_134 = tpu.memref_slice %arg6[%dma_wait3A, %dma_wait3A_133] : memref<64x512xi32, #tpu.memory_space<vmem>> -> memref<16x512xi32, #tpu.memory_space<vmem>>
    %dma_wait3A_135 = arith.constant 0 : i32
    %dma_wait3A_136 = tpu.memref_slice %arg2[%dma_wait3A_135, %mul3A_2] : memref<64x16384xi32, #tpu.memory_space<hbm>> -> memref<16x512xi32, #tpu.memory_space<hbm>>
    %dma_wait3A_137 = arith.constant 0 : i32
    %dma_wait3A_138 = arith.constant 0 : i32
    %dma_wait3A_139 = tpu.memref_slice %arg6[%dma_wait3A_137, %dma_wait3A_138] : memref<64x512xi32, #tpu.memory_space<vmem>> -> memref<16x512xi32, #tpu.memory_space<vmem>>
    %dma_wait3A_140 = arith.constant 0 : i32
    %dma_wait3A_141 = tpu.memref_slice %arg2[%dma_wait3A_140, %mul3A_2] : memref<64x16384xi32, #tpu.memory_space<hbm>> -> memref<16x512xi32, #tpu.memory_space<hbm>>
    tpu.wait_dma2 semaphore(%arg10 : memref<!tpu.dma_semaphore, #tpu.memory_space<semaphore_mem>>) src(%dma_wait3A_141 : memref<16x512xi32, #tpu.memory_space<hbm>>) dst(%dma_wait3A_139 : memref<16x512xi32, #tpu.memory_space<vmem>>)
    %scan3A = arith.constant 0 : i32
    %scan3A_142 = arith.constant 16 : i32
    %scan3A_143 = arith.addi %scan3A, %scan3A_142 : i32
    %scan3A_144 = arith.constant 1 : i32
    %scan3A_145:5 = scf.for %scan3A_201 = %scan3A to %scan3A_143 step %scan3A_144 iter_args(%scan3A_202 = %select_n3A, %scan3A_203 = %broadcast_in_dim3A_46, %scan3A_204 = %broadcast_in_dim3A_46, %scan3A_205 = %broadcast_in_dim3A_46, %scan3A_206 = %broadcast_in_dim3A_46) -> (vector<16xi32>, vector<16xi32>, vector<16xi32>, vector<16xi32>, vector<16xi32>)  : i32 {
      %get3A_207 = arith.index_cast %scan3A_201 : i32 to index
      %get3A_208 = arith.constant 0 : index
      %get3A_209 = tpu.vector_load %arg6[%get3A_207, %get3A_208] {strides = array<i32>} : memref<64x512xi32, #tpu.memory_space<vmem>>, vector<16xi32>,
      %shift_left3A = arith.constant 0 : i32
      %shift_left3A_210 = vector.broadcast %shift_left3A : i32 to vector<16xi32>
      %shift_left3A_211 = arith.shli %get3A_209, %shift_left3A_210 : vector<16xi32>
      %get3A_212 = arith.index_cast %scan3A_201 : i32 to index
      %get3A_213 = arith.constant 16 : index
      %get3A_214 = tpu.vector_load %arg6[%get3A_212, %get3A_213] {strides = array<i32>} : memref<64x512xi32, #tpu.memory_space<vmem>>, vector<16xi32>,
      %shift_left3A_215 = arith.constant 1 : i32
      %shift_left3A_216 = vector.broadcast %shift_left3A_215 : i32 to vector<16xi32>
      %shift_left3A_217 = arith.shli %get3A_214, %shift_left3A_216 : vector<16xi32>
      %get3A_218 = arith.index_cast %scan3A_201 : i32 to index
      %get3A_219 = arith.constant 32 : index
      %get3A_220 = tpu.vector_load %arg6[%get3A_218, %get3A_219] {strides = array<i32>} : memref<64x512xi32, #tpu.memory_space<vmem>>, vector<16xi32>,
      %shift_left3A_221 = arith.constant 2 : i32
      %shift_left3A_222 = vector.broadcast %shift_left3A_221 : i32 to vector<16xi32>
      %shift_left3A_223 = arith.shli %get3A_220, %shift_left3A_222 : vector<16xi32>
      %get3A_224 = arith.index_cast %scan3A_201 : i32 to index
      %get3A_225 = arith.constant 48 : index
      %get3A_226 = tpu.vector_load %arg6[%get3A_224, %get3A_225] {strides = array<i32>} : memref<64x512xi32, #tpu.memory_space<vmem>>, vector<16xi32>,
      %shift_left3A_227 = arith.constant 3 : i32
      %shift_left3A_228 = vector.broadcast %shift_left3A_227 : i32 to vector<16xi32>
      %shift_left3A_229 = arith.shli %get3A_226, %shift_left3A_228 : vector<16xi32>
      %get3A_230 = arith.index_cast %scan3A_201 : i32 to index
      %get3A_231 = arith.constant 64 : index
      %get3A_232 = tpu.vector_load %arg6[%get3A_230, %get3A_231] {strides = array<i32>} : memref<64x512xi32, #tpu.memory_space<vmem>>, vector<16xi32>,
      %shift_left3A_233 = arith.constant 4 : i32
      %shift_left3A_234 = vector.broadcast %shift_left3A_233 : i32 to vector<16xi32>
      %shift_left3A_235 = arith.shli %get3A_232, %shift_left3A_234 : vector<16xi32>
      %get3A_236 = arith.index_cast %scan3A_201 : i32 to index
      %get3A_237 = arith.constant 80 : index
      %get3A_238 = tpu.vector_load %arg6[%get3A_236, %get3A_237] {strides = array<i32>} : memref<64x512xi32, #tpu.memory_space<vmem>>, vector<16xi32>,
      %shift_left3A_239 = arith.constant 5 : i32
      %shift_left3A_240 = vector.broadcast %shift_left3A_239 : i32 to vector<16xi32>
      %shift_left3A_241 = arith.shli %get3A_238, %shift_left3A_240 : vector<16xi32>
      %get3A_242 = arith.index_cast %scan3A_201 : i32 to index
      %get3A_243 = arith.constant 96 : index
      %get3A_244 = tpu.vector_load %arg6[%get3A_242, %get3A_243] {strides = array<i32>} : memref<64x512xi32, #tpu.memory_space<vmem>>, vector<16xi32>,
      %shift_left3A_245 = arith.constant 6 : i32
      %shift_left3A_246 = vector.broadcast %shift_left3A_245 : i32 to vector<16xi32>
      %shift_left3A_247 = arith.shli %get3A_244, %shift_left3A_246 : vector<16xi32>
      %get3A_248 = arith.index_cast %scan3A_201 : i32 to index
      %get3A_249 = arith.constant 112 : index
      %get3A_250 = tpu.vector_load %arg6[%get3A_248, %get3A_249] {strides = array<i32>} : memref<64x512xi32, #tpu.memory_space<vmem>>, vector<16xi32>,
      %shift_left3A_251 = arith.constant 7 : i32
      %shift_left3A_252 = vector.broadcast %shift_left3A_251 : i32 to vector<16xi32>
      %shift_left3A_253 = arith.shli %get3A_250, %shift_left3A_252 : vector<16xi32>
      %get3A_254 = arith.index_cast %scan3A_201 : i32 to index
      %get3A_255 = arith.constant 128 : index
      %get3A_256 = tpu.vector_load %arg6[%get3A_254, %get3A_255] {strides = array<i32>} : memref<64x512xi32, #tpu.memory_space<vmem>>, vector<16xi32>,
      %shift_left3A_257 = arith.constant 8 : i32
      %shift_left3A_258 = vector.broadcast %shift_left3A_257 : i32 to vector<16xi32>
      %shift_left3A_259 = arith.shli %get3A_256, %shift_left3A_258 : vector<16xi32>
      %get3A_260 = arith.index_cast %scan3A_201 : i32 to index
      %get3A_261 = arith.constant 144 : index
      %get3A_262 = tpu.vector_load %arg6[%get3A_260, %get3A_261] {strides = array<i32>} : memref<64x512xi32, #tpu.memory_space<vmem>>, vector<16xi32>,
      %shift_left3A_263 = arith.constant 9 : i32
      %shift_left3A_264 = vector.broadcast %shift_left3A_263 : i32 to vector<16xi32>
      %shift_left3A_265 = arith.shli %get3A_262, %shift_left3A_264 : vector<16xi32>
      %get3A_266 = arith.index_cast %scan3A_201 : i32 to index
      %get3A_267 = arith.constant 160 : index
      %get3A_268 = tpu.vector_load %arg6[%get3A_266, %get3A_267] {strides = array<i32>} : memref<64x512xi32, #tpu.memory_space<vmem>>, vector<16xi32>,
      %shift_left3A_269 = arith.constant 10 : i32
      %shift_left3A_270 = vector.broadcast %shift_left3A_269 : i32 to vector<16xi32>
      %shift_left3A_271 = arith.shli %get3A_268, %shift_left3A_270 : vector<16xi32>
      %get3A_272 = arith.index_cast %scan3A_201 : i32 to index
      %get3A_273 = arith.constant 176 : index
      %get3A_274 = tpu.vector_load %arg6[%get3A_272, %get3A_273] {strides = array<i32>} : memref<64x512xi32, #tpu.memory_space<vmem>>, vector<16xi32>,
      %shift_left3A_275 = arith.constant 11 : i32
      %shift_left3A_276 = vector.broadcast %shift_left3A_275 : i32 to vector<16xi32>
      %shift_left3A_277 = arith.shli %get3A_274, %shift_left3A_276 : vector<16xi32>
      %get3A_278 = arith.index_cast %scan3A_201 : i32 to index
      %get3A_279 = arith.constant 192 : index
      %get3A_280 = tpu.vector_load %arg6[%get3A_278, %get3A_279] {strides = array<i32>} : memref<64x512xi32, #tpu.memory_space<vmem>>, vector<16xi32>,
      %shift_left3A_281 = arith.constant 12 : i32
      %shift_left3A_282 = vector.broadcast %shift_left3A_281 : i32 to vector<16xi32>
      %shift_left3A_283 = arith.shli %get3A_280, %shift_left3A_282 : vector<16xi32>
      %get3A_284 = arith.index_cast %scan3A_201 : i32 to index
      %get3A_285 = arith.constant 208 : index
      %get3A_286 = tpu.vector_load %arg6[%get3A_284, %get3A_285] {strides = array<i32>} : memref<64x512xi32, #tpu.memory_space<vmem>>, vector<16xi32>,
      %shift_left3A_287 = arith.constant 13 : i32
      %shift_left3A_288 = vector.broadcast %shift_left3A_287 : i32 to vector<16xi32>
      %shift_left3A_289 = arith.shli %get3A_286, %shift_left3A_288 : vector<16xi32>
      %get3A_290 = arith.index_cast %scan3A_201 : i32 to index
      %get3A_291 = arith.constant 224 : index
      %get3A_292 = tpu.vector_load %arg6[%get3A_290, %get3A_291] {strides = array<i32>} : memref<64x512xi32, #tpu.memory_space<vmem>>, vector<16xi32>,
      %shift_left3A_293 = arith.constant 14 : i32
      %shift_left3A_294 = vector.broadcast %shift_left3A_293 : i32 to vector<16xi32>
      %shift_left3A_295 = arith.shli %get3A_292, %shift_left3A_294 : vector<16xi32>
      %get3A_296 = arith.index_cast %scan3A_201 : i32 to index
      %get3A_297 = arith.constant 240 : index
      %get3A_298 = tpu.vector_load %arg6[%get3A_296, %get3A_297] {strides = array<i32>} : memref<64x512xi32, #tpu.memory_space<vmem>>, vector<16xi32>,
      %shift_left3A_299 = arith.constant 15 : i32
      %shift_left3A_300 = vector.broadcast %shift_left3A_299 : i32 to vector<16xi32>
      %shift_left3A_301 = arith.shli %get3A_298, %shift_left3A_300 : vector<16xi32>
      %get3A_302 = arith.index_cast %scan3A_201 : i32 to index
      %get3A_303 = arith.constant 256 : index
      %get3A_304 = tpu.vector_load %arg6[%get3A_302, %get3A_303] {strides = array<i32>} : memref<64x512xi32, #tpu.memory_space<vmem>>, vector<16xi32>,
      %shift_left3A_305 = arith.constant 16 : i32
      %shift_left3A_306 = vector.broadcast %shift_left3A_305 : i32 to vector<16xi32>
      %shift_left3A_307 = arith.shli %get3A_304, %shift_left3A_306 : vector<16xi32>
      %get3A_308 = arith.index_cast %scan3A_201 : i32 to index
      %get3A_309 = arith.constant 272 : index
      %get3A_310 = tpu.vector_load %arg6[%get3A_308, %get3A_309] {strides = array<i32>} : memref<64x512xi32, #tpu.memory_space<vmem>>, vector<16xi32>,
      %shift_left3A_311 = arith.constant 17 : i32
      %shift_left3A_312 = vector.broadcast %shift_left3A_311 : i32 to vector<16xi32>
      %shift_left3A_313 = arith.shli %get3A_310, %shift_left3A_312 : vector<16xi32>
      %get3A_314 = arith.index_cast %scan3A_201 : i32 to index
      %get3A_315 = arith.constant 288 : index
      %get3A_316 = tpu.vector_load %arg6[%get3A_314, %get3A_315] {strides = array<i32>} : memref<64x512xi32, #tpu.memory_space<vmem>>, vector<16xi32>,
      %shift_left3A_317 = arith.constant 18 : i32
      %shift_left3A_318 = vector.broadcast %shift_left3A_317 : i32 to vector<16xi32>
      %shift_left3A_319 = arith.shli %get3A_316, %shift_left3A_318 : vector<16xi32>
      %get3A_320 = arith.index_cast %scan3A_201 : i32 to index
      %get3A_321 = arith.constant 304 : index
      %get3A_322 = tpu.vector_load %arg6[%get3A_320, %get3A_321] {strides = array<i32>} : memref<64x512xi32, #tpu.memory_space<vmem>>, vector<16xi32>,
      %shift_left3A_323 = arith.constant 19 : i32
      %shift_left3A_324 = vector.broadcast %shift_left3A_323 : i32 to vector<16xi32>
      %shift_left3A_325 = arith.shli %get3A_322, %shift_left3A_324 : vector<16xi32>
      %get3A_326 = arith.index_cast %scan3A_201 : i32 to index
      %get3A_327 = arith.constant 320 : index
      %get3A_328 = tpu.vector_load %arg6[%get3A_326, %get3A_327] {strides = array<i32>} : memref<64x512xi32, #tpu.memory_space<vmem>>, vector<16xi32>,
      %shift_left3A_329 = arith.constant 20 : i32
      %shift_left3A_330 = vector.broadcast %shift_left3A_329 : i32 to vector<16xi32>
      %shift_left3A_331 = arith.shli %get3A_328, %shift_left3A_330 : vector<16xi32>
      %get3A_332 = arith.index_cast %scan3A_201 : i32 to index
      %get3A_333 = arith.constant 336 : index
      %get3A_334 = tpu.vector_load %arg6[%get3A_332, %get3A_333] {strides = array<i32>} : memref<64x512xi32, #tpu.memory_space<vmem>>, vector<16xi32>,
      %shift_left3A_335 = arith.constant 21 : i32
      %shift_left3A_336 = vector.broadcast %shift_left3A_335 : i32 to vector<16xi32>
      %shift_left3A_337 = arith.shli %get3A_334, %shift_left3A_336 : vector<16xi32>
      %get3A_338 = arith.index_cast %scan3A_201 : i32 to index
      %get3A_339 = arith.constant 352 : index
      %get3A_340 = tpu.vector_load %arg6[%get3A_338, %get3A_339] {strides = array<i32>} : memref<64x512xi32, #tpu.memory_space<vmem>>, vector<16xi32>,
      %shift_left3A_341 = arith.constant 22 : i32
      %shift_left3A_342 = vector.broadcast %shift_left3A_341 : i32 to vector<16xi32>
      %shift_left3A_343 = arith.shli %get3A_340, %shift_left3A_342 : vector<16xi32>
      %get3A_344 = arith.index_cast %scan3A_201 : i32 to index
      %get3A_345 = arith.constant 368 : index
      %get3A_346 = tpu.vector_load %arg6[%get3A_344, %get3A_345] {strides = array<i32>} : memref<64x512xi32, #tpu.memory_space<vmem>>, vector<16xi32>,
      %shift_left3A_347 = arith.constant 23 : i32
      %shift_left3A_348 = vector.broadcast %shift_left3A_347 : i32 to vector<16xi32>
      %shift_left3A_349 = arith.shli %get3A_346, %shift_left3A_348 : vector<16xi32>
      %get3A_350 = arith.index_cast %scan3A_201 : i32 to index
      %get3A_351 = arith.constant 384 : index
      %get3A_352 = tpu.vector_load %arg6[%get3A_350, %get3A_351] {strides = array<i32>} : memref<64x512xi32, #tpu.memory_space<vmem>>, vector<16xi32>,
      %shift_left3A_353 = arith.constant 24 : i32
      %shift_left3A_354 = vector.broadcast %shift_left3A_353 : i32 to vector<16xi32>
      %shift_left3A_355 = arith.shli %get3A_352, %shift_left3A_354 : vector<16xi32>
      %get3A_356 = arith.index_cast %scan3A_201 : i32 to index
      %get3A_357 = arith.constant 400 : index
      %get3A_358 = tpu.vector_load %arg6[%get3A_356, %get3A_357] {strides = array<i32>} : memref<64x512xi32, #tpu.memory_space<vmem>>, vector<16xi32>,
      %shift_left3A_359 = arith.constant 25 : i32
      %shift_left3A_360 = vector.broadcast %shift_left3A_359 : i32 to vector<16xi32>
      %shift_left3A_361 = arith.shli %get3A_358, %shift_left3A_360 : vector<16xi32>
      %get3A_362 = arith.index_cast %scan3A_201 : i32 to index
      %get3A_363 = arith.constant 416 : index
      %get3A_364 = tpu.vector_load %arg6[%get3A_362, %get3A_363] {strides = array<i32>} : memref<64x512xi32, #tpu.memory_space<vmem>>, vector<16xi32>,
      %shift_left3A_365 = arith.constant 26 : i32
      %shift_left3A_366 = vector.broadcast %shift_left3A_365 : i32 to vector<16xi32>
      %shift_left3A_367 = arith.shli %get3A_364, %shift_left3A_366 : vector<16xi32>
      %get3A_368 = arith.index_cast %scan3A_201 : i32 to index
      %get3A_369 = arith.constant 432 : index
      %get3A_370 = tpu.vector_load %arg6[%get3A_368, %get3A_369] {strides = array<i32>} : memref<64x512xi32, #tpu.memory_space<vmem>>, vector<16xi32>,
      %shift_left3A_371 = arith.constant 27 : i32
      %shift_left3A_372 = vector.broadcast %shift_left3A_371 : i32 to vector<16xi32>
      %shift_left3A_373 = arith.shli %get3A_370, %shift_left3A_372 : vector<16xi32>
      %get3A_374 = arith.index_cast %scan3A_201 : i32 to index
      %get3A_375 = arith.constant 448 : index
      %get3A_376 = tpu.vector_load %arg6[%get3A_374, %get3A_375] {strides = array<i32>} : memref<64x512xi32, #tpu.memory_space<vmem>>, vector<16xi32>,
      %shift_left3A_377 = arith.constant 28 : i32
      %shift_left3A_378 = vector.broadcast %shift_left3A_377 : i32 to vector<16xi32>
      %shift_left3A_379 = arith.shli %get3A_376, %shift_left3A_378 : vector<16xi32>
      %get3A_380 = arith.index_cast %scan3A_201 : i32 to index
      %get3A_381 = arith.constant 464 : index
      %get3A_382 = tpu.vector_load %arg6[%get3A_380, %get3A_381] {strides = array<i32>} : memref<64x512xi32, #tpu.memory_space<vmem>>, vector<16xi32>,
      %shift_left3A_383 = arith.constant 29 : i32
      %shift_left3A_384 = vector.broadcast %shift_left3A_383 : i32 to vector<16xi32>
      %shift_left3A_385 = arith.shli %get3A_382, %shift_left3A_384 : vector<16xi32>
      %get3A_386 = arith.index_cast %scan3A_201 : i32 to index
      %get3A_387 = arith.constant 480 : index
      %get3A_388 = tpu.vector_load %arg6[%get3A_386, %get3A_387] {strides = array<i32>} : memref<64x512xi32, #tpu.memory_space<vmem>>, vector<16xi32>,
      %shift_left3A_389 = arith.constant 30 : i32
      %shift_left3A_390 = vector.broadcast %shift_left3A_389 : i32 to vector<16xi32>
      %shift_left3A_391 = arith.shli %get3A_388, %shift_left3A_390 : vector<16xi32>
      %get3A_392 = arith.index_cast %scan3A_201 : i32 to index
      %get3A_393 = arith.constant 496 : index
      %get3A_394 = tpu.vector_load %arg6[%get3A_392, %get3A_393] {strides = array<i32>} : memref<64x512xi32, #tpu.memory_space<vmem>>, vector<16xi32>,
      %shift_left3A_395 = arith.constant 31 : i32
      %shift_left3A_396 = vector.broadcast %shift_left3A_395 : i32 to vector<16xi32>
      %shift_left3A_397 = arith.shli %get3A_394, %shift_left3A_396 : vector<16xi32>
      %or3A = arith.ori %shift_left3A_211, %shift_left3A_217 : vector<16xi32>
      %or3A_398 = arith.ori %shift_left3A_223, %shift_left3A_229 : vector<16xi32>
      %or3A_399 = arith.ori %shift_left3A_235, %shift_left3A_241 : vector<16xi32>
      %or3A_400 = arith.ori %shift_left3A_247, %shift_left3A_253 : vector<16xi32>
      %or3A_401 = arith.ori %shift_left3A_259, %shift_left3A_265 : vector<16xi32>
      %or3A_402 = arith.ori %shift_left3A_271, %shift_left3A_277 : vector<16xi32>
      %or3A_403 = arith.ori %shift_left3A_283, %shift_left3A_289 : vector<16xi32>
      %or3A_404 = arith.ori %shift_left3A_295, %shift_left3A_301 : vector<16xi32>
      %or3A_405 = arith.ori %shift_left3A_307, %shift_left3A_313 : vector<16xi32>
      %or3A_406 = arith.ori %shift_left3A_319, %shift_left3A_325 : vector<16xi32>
      %or3A_407 = arith.ori %shift_left3A_331, %shift_left3A_337 : vector<16xi32>
      %or3A_408 = arith.ori %shift_left3A_343, %shift_left3A_349 : vector<16xi32>
      %or3A_409 = arith.ori %shift_left3A_355, %shift_left3A_361 : vector<16xi32>
      %or3A_410 = arith.ori %shift_left3A_367, %shift_left3A_373 : vector<16xi32>
      %or3A_411 = arith.ori %shift_left3A_379, %shift_left3A_385 : vector<16xi32>
      %or3A_412 = arith.ori %shift_left3A_391, %shift_left3A_397 : vector<16xi32>
      %or3A_413 = arith.ori %or3A, %or3A_398 : vector<16xi32>
      %or3A_414 = arith.ori %or3A_399, %or3A_400 : vector<16xi32>
      %or3A_415 = arith.ori %or3A_401, %or3A_402 : vector<16xi32>
      %or3A_416 = arith.ori %or3A_403, %or3A_404 : vector<16xi32>
      %or3A_417 = arith.ori %or3A_405, %or3A_406 : vector<16xi32>
      %or3A_418 = arith.ori %or3A_407, %or3A_408 : vector<16xi32>
      %or3A_419 = arith.ori %or3A_409, %or3A_410 : vector<16xi32>
      %or3A_420 = arith.ori %or3A_411, %or3A_412 : vector<16xi32>
      %or3A_421 = arith.ori %or3A_413, %or3A_414 : vector<16xi32>
      %or3A_422 = arith.ori %or3A_415, %or3A_416 : vector<16xi32>
      %or3A_423 = arith.ori %or3A_417, %or3A_418 : vector<16xi32>
      %or3A_424 = arith.ori %or3A_419, %or3A_420 : vector<16xi32>
      %or3A_425 = arith.ori %or3A_421, %or3A_422 : vector<16xi32>
      %or3A_426 = arith.ori %or3A_423, %or3A_424 : vector<16xi32>
      %or3A_427 = arith.ori %or3A_425, %or3A_426 : vector<16xi32>
      %not3A = arith.constant dense<-1> : vector<16xi32>
      %not3A_428 = arith.xori %or3A_427, %not3A : vector<16xi32>
      %not3A_429 = arith.constant dense<-1> : vector<16xi32>
      %not3A_430 = arith.xori %scan3A_202, %not3A_429 : vector<16xi32>
      %and3A = arith.andi %not3A_430, %select_n3A_78 : vector<16xi32>
      %and3A_431 = arith.andi %scan3A_202, %select_n3A_96 : vector<16xi32>
      %or3A_432 = arith.ori %and3A, %and3A_431 : vector<16xi32>
      %and3A_433 = arith.andi %not3A_428, %or3A_432 : vector<16xi32>
      %and3A_434 = arith.andi %not3A_430, %select_n3A_114 : vector<16xi32>
      %and3A_435 = arith.andi %scan3A_202, %select_n3A_132 : vector<16xi32>
      %or3A_436 = arith.ori %and3A_434, %and3A_435 : vector<16xi32>
      %and3A_437 = arith.andi %or3A_427, %or3A_436 : vector<16xi32>
      %or3A_438 = arith.ori %and3A_433, %and3A_437 : vector<16xi32>
      %not3A_439 = arith.constant dense<-1> : vector<16xi32>
      %not3A_440 = arith.xori %or3A_438, %not3A_439 : vector<16xi32>
      %and3A_441 = arith.andi %not3A_428, %not3A_440 : vector<16xi32>
      %or3A_442 = arith.ori %scan3A_203, %and3A_441 : vector<16xi32>
      %and3A_443 = arith.andi %not3A_428, %or3A_438 : vector<16xi32>
      %or3A_444 = arith.ori %scan3A_204, %and3A_443 : vector<16xi32>
      %and3A_445 = arith.andi %or3A_427, %not3A_440 : vector<16xi32>
      %or3A_446 = arith.ori %scan3A_205, %and3A_445 : vector<16xi32>
      %and3A_447 = arith.andi %or3A_427, %or3A_438 : vector<16xi32>
      %or3A_448 = arith.ori %scan3A_206, %and3A_447 : vector<16xi32>
      scf.yield %or3A_438, %or3A_442, %or3A_444, %or3A_446, %or3A_448 : vector<16xi32>, vector<16xi32>, vector<16xi32>, vector<16xi32>, vector<16xi32>
    }
    %scan3A_146 = arith.constant 16 : i32
    %dma_wait3A_147 = arith.constant 16 : i32
    %dma_wait3A_148 = arith.constant 0 : i32
    %dma_wait3A_149 = tpu.memref_slice %arg6[%dma_wait3A_147, %dma_wait3A_148] : memref<64x512xi32, #tpu.memory_space<vmem>> -> memref<16x512xi32, #tpu.memory_space<vmem>>
    %dma_wait3A_150 = arith.constant 16 : i32
    %dma_wait3A_151 = tpu.memref_slice %arg2[%dma_wait3A_150, %mul3A_2] : memref<64x16384xi32, #tpu.memory_space<hbm>> -> memref<16x512xi32, #tpu.memory_space<hbm>>
    %dma_wait3A_152 = arith.constant 16 : i32
    %dma_wait3A_153 = arith.constant 0 : i32
    %dma_wait3A_154 = tpu.memref_slice %arg6[%dma_wait3A_152, %dma_wait3A_153] : memref<64x512xi32, #tpu.memory_space<vmem>> -> memref<16x512xi32, #tpu.memory_space<vmem>>
    %dma_wait3A_155 = arith.constant 16 : i32
    %dma_wait3A_156 = tpu.memref_slice %arg2[%dma_wait3A_155, %mul3A_2] : memref<64x16384xi32, #tpu.memory_space<hbm>> -> memref<16x512xi32, #tpu.memory_space<hbm>>
    tpu.wait_dma2 semaphore(%arg11 : memref<!tpu.dma_semaphore, #tpu.memory_space<semaphore_mem>>) src(%dma_wait3A_156 : memref<16x512xi32, #tpu.memory_space<hbm>>) dst(%dma_wait3A_154 : memref<16x512xi32, #tpu.memory_space<vmem>>)
    %scan3A_157 = arith.constant 16 : i32
    %scan3A_158 = arith.constant 16 : i32
    %scan3A_159 = arith.addi %scan3A_157, %scan3A_158 : i32
    %scan3A_160 = arith.constant 1 : i32
    %scan3A_161:5 = scf.for %scan3A_201 = %scan3A_157 to %scan3A_159 step %scan3A_160 iter_args(%scan3A_202 = %scan3A_145#0, %scan3A_203 = %scan3A_145#1, %scan3A_204 = %scan3A_145#2, %scan3A_205 = %scan3A_145#3, %scan3A_206 = %scan3A_145#4) -> (vector<16xi32>, vector<16xi32>, vector<16xi32>, vector<16xi32>, vector<16xi32>)  : i32 {
      %get3A_207 = arith.index_cast %scan3A_201 : i32 to index
      %get3A_208 = arith.constant 0 : index
      %get3A_209 = tpu.vector_load %arg6[%get3A_207, %get3A_208] {strides = array<i32>} : memref<64x512xi32, #tpu.memory_space<vmem>>, vector<16xi32>,
      %shift_left3A = arith.constant 0 : i32
      %shift_left3A_210 = vector.broadcast %shift_left3A : i32 to vector<16xi32>
      %shift_left3A_211 = arith.shli %get3A_209, %shift_left3A_210 : vector<16xi32>
      %get3A_212 = arith.index_cast %scan3A_201 : i32 to index
      %get3A_213 = arith.constant 16 : index
      %get3A_214 = tpu.vector_load %arg6[%get3A_212, %get3A_213] {strides = array<i32>} : memref<64x512xi32, #tpu.memory_space<vmem>>, vector<16xi32>,
      %shift_left3A_215 = arith.constant 1 : i32
      %shift_left3A_216 = vector.broadcast %shift_left3A_215 : i32 to vector<16xi32>
      %shift_left3A_217 = arith.shli %get3A_214, %shift_left3A_216 : vector<16xi32>
      %get3A_218 = arith.index_cast %scan3A_201 : i32 to index
      %get3A_219 = arith.constant 32 : index
      %get3A_220 = tpu.vector_load %arg6[%get3A_218, %get3A_219] {strides = array<i32>} : memref<64x512xi32, #tpu.memory_space<vmem>>, vector<16xi32>,
      %shift_left3A_221 = arith.constant 2 : i32
      %shift_left3A_222 = vector.broadcast %shift_left3A_221 : i32 to vector<16xi32>
      %shift_left3A_223 = arith.shli %get3A_220, %shift_left3A_222 : vector<16xi32>
      %get3A_224 = arith.index_cast %scan3A_201 : i32 to index
      %get3A_225 = arith.constant 48 : index
      %get3A_226 = tpu.vector_load %arg6[%get3A_224, %get3A_225] {strides = array<i32>} : memref<64x512xi32, #tpu.memory_space<vmem>>, vector<16xi32>,
      %shift_left3A_227 = arith.constant 3 : i32
      %shift_left3A_228 = vector.broadcast %shift_left3A_227 : i32 to vector<16xi32>
      %shift_left3A_229 = arith.shli %get3A_226, %shift_left3A_228 : vector<16xi32>
      %get3A_230 = arith.index_cast %scan3A_201 : i32 to index
      %get3A_231 = arith.constant 64 : index
      %get3A_232 = tpu.vector_load %arg6[%get3A_230, %get3A_231] {strides = array<i32>} : memref<64x512xi32, #tpu.memory_space<vmem>>, vector<16xi32>,
      %shift_left3A_233 = arith.constant 4 : i32
      %shift_left3A_234 = vector.broadcast %shift_left3A_233 : i32 to vector<16xi32>
      %shift_left3A_235 = arith.shli %get3A_232, %shift_left3A_234 : vector<16xi32>
      %get3A_236 = arith.index_cast %scan3A_201 : i32 to index
      %get3A_237 = arith.constant 80 : index
      %get3A_238 = tpu.vector_load %arg6[%get3A_236, %get3A_237] {strides = array<i32>} : memref<64x512xi32, #tpu.memory_space<vmem>>, vector<16xi32>,
      %shift_left3A_239 = arith.constant 5 : i32
      %shift_left3A_240 = vector.broadcast %shift_left3A_239 : i32 to vector<16xi32>
      %shift_left3A_241 = arith.shli %get3A_238, %shift_left3A_240 : vector<16xi32>
      %get3A_242 = arith.index_cast %scan3A_201 : i32 to index
      %get3A_243 = arith.constant 96 : index
      %get3A_244 = tpu.vector_load %arg6[%get3A_242, %get3A_243] {strides = array<i32>} : memref<64x512xi32, #tpu.memory_space<vmem>>, vector<16xi32>,
      %shift_left3A_245 = arith.constant 6 : i32
      %shift_left3A_246 = vector.broadcast %shift_left3A_245 : i32 to vector<16xi32>
      %shift_left3A_247 = arith.shli %get3A_244, %shift_left3A_246 : vector<16xi32>
      %get3A_248 = arith.index_cast %scan3A_201 : i32 to index
      %get3A_249 = arith.constant 112 : index
      %get3A_250 = tpu.vector_load %arg6[%get3A_248, %get3A_249] {strides = array<i32>} : memref<64x512xi32, #tpu.memory_space<vmem>>, vector<16xi32>,
      %shift_left3A_251 = arith.constant 7 : i32
      %shift_left3A_252 = vector.broadcast %shift_left3A_251 : i32 to vector<16xi32>
      %shift_left3A_253 = arith.shli %get3A_250, %shift_left3A_252 : vector<16xi32>
      %get3A_254 = arith.index_cast %scan3A_201 : i32 to index
      %get3A_255 = arith.constant 128 : index
      %get3A_256 = tpu.vector_load %arg6[%get3A_254, %get3A_255] {strides = array<i32>} : memref<64x512xi32, #tpu.memory_space<vmem>>, vector<16xi32>,
      %shift_left3A_257 = arith.constant 8 : i32
      %shift_left3A_258 = vector.broadcast %shift_left3A_257 : i32 to vector<16xi32>
      %shift_left3A_259 = arith.shli %get3A_256, %shift_left3A_258 : vector<16xi32>
      %get3A_260 = arith.index_cast %scan3A_201 : i32 to index
      %get3A_261 = arith.constant 144 : index
      %get3A_262 = tpu.vector_load %arg6[%get3A_260, %get3A_261] {strides = array<i32>} : memref<64x512xi32, #tpu.memory_space<vmem>>, vector<16xi32>,
      %shift_left3A_263 = arith.constant 9 : i32
      %shift_left3A_264 = vector.broadcast %shift_left3A_263 : i32 to vector<16xi32>
      %shift_left3A_265 = arith.shli %get3A_262, %shift_left3A_264 : vector<16xi32>
      %get3A_266 = arith.index_cast %scan3A_201 : i32 to index
      %get3A_267 = arith.constant 160 : index
      %get3A_268 = tpu.vector_load %arg6[%get3A_266, %get3A_267] {strides = array<i32>} : memref<64x512xi32, #tpu.memory_space<vmem>>, vector<16xi32>,
      %shift_left3A_269 = arith.constant 10 : i32
      %shift_left3A_270 = vector.broadcast %shift_left3A_269 : i32 to vector<16xi32>
      %shift_left3A_271 = arith.shli %get3A_268, %shift_left3A_270 : vector<16xi32>
      %get3A_272 = arith.index_cast %scan3A_201 : i32 to index
      %get3A_273 = arith.constant 176 : index
      %get3A_274 = tpu.vector_load %arg6[%get3A_272, %get3A_273] {strides = array<i32>} : memref<64x512xi32, #tpu.memory_space<vmem>>, vector<16xi32>,
      %shift_left3A_275 = arith.constant 11 : i32
      %shift_left3A_276 = vector.broadcast %shift_left3A_275 : i32 to vector<16xi32>
      %shift_left3A_277 = arith.shli %get3A_274, %shift_left3A_276 : vector<16xi32>
      %get3A_278 = arith.index_cast %scan3A_201 : i32 to index
      %get3A_279 = arith.constant 192 : index
      %get3A_280 = tpu.vector_load %arg6[%get3A_278, %get3A_279] {strides = array<i32>} : memref<64x512xi32, #tpu.memory_space<vmem>>, vector<16xi32>,
      %shift_left3A_281 = arith.constant 12 : i32
      %shift_left3A_282 = vector.broadcast %shift_left3A_281 : i32 to vector<16xi32>
      %shift_left3A_283 = arith.shli %get3A_280, %shift_left3A_282 : vector<16xi32>
      %get3A_284 = arith.index_cast %scan3A_201 : i32 to index
      %get3A_285 = arith.constant 208 : index
      %get3A_286 = tpu.vector_load %arg6[%get3A_284, %get3A_285] {strides = array<i32>} : memref<64x512xi32, #tpu.memory_space<vmem>>, vector<16xi32>,
      %shift_left3A_287 = arith.constant 13 : i32
      %shift_left3A_288 = vector.broadcast %shift_left3A_287 : i32 to vector<16xi32>
      %shift_left3A_289 = arith.shli %get3A_286, %shift_left3A_288 : vector<16xi32>
      %get3A_290 = arith.index_cast %scan3A_201 : i32 to index
      %get3A_291 = arith.constant 224 : index
      %get3A_292 = tpu.vector_load %arg6[%get3A_290, %get3A_291] {strides = array<i32>} : memref<64x512xi32, #tpu.memory_space<vmem>>, vector<16xi32>,
      %shift_left3A_293 = arith.constant 14 : i32
      %shift_left3A_294 = vector.broadcast %shift_left3A_293 : i32 to vector<16xi32>
      %shift_left3A_295 = arith.shli %get3A_292, %shift_left3A_294 : vector<16xi32>
      %get3A_296 = arith.index_cast %scan3A_201 : i32 to index
      %get3A_297 = arith.constant 240 : index
      %get3A_298 = tpu.vector_load %arg6[%get3A_296, %get3A_297] {strides = array<i32>} : memref<64x512xi32, #tpu.memory_space<vmem>>, vector<16xi32>,
      %shift_left3A_299 = arith.constant 15 : i32
      %shift_left3A_300 = vector.broadcast %shift_left3A_299 : i32 to vector<16xi32>
      %shift_left3A_301 = arith.shli %get3A_298, %shift_left3A_300 : vector<16xi32>
      %get3A_302 = arith.index_cast %scan3A_201 : i32 to index
      %get3A_303 = arith.constant 256 : index
      %get3A_304 = tpu.vector_load %arg6[%get3A_302, %get3A_303] {strides = array<i32>} : memref<64x512xi32, #tpu.memory_space<vmem>>, vector<16xi32>,
      %shift_left3A_305 = arith.constant 16 : i32
      %shift_left3A_306 = vector.broadcast %shift_left3A_305 : i32 to vector<16xi32>
      %shift_left3A_307 = arith.shli %get3A_304, %shift_left3A_306 : vector<16xi32>
      %get3A_308 = arith.index_cast %scan3A_201 : i32 to index
      %get3A_309 = arith.constant 272 : index
      %get3A_310 = tpu.vector_load %arg6[%get3A_308, %get3A_309] {strides = array<i32>} : memref<64x512xi32, #tpu.memory_space<vmem>>, vector<16xi32>,
      %shift_left3A_311 = arith.constant 17 : i32
      %shift_left3A_312 = vector.broadcast %shift_left3A_311 : i32 to vector<16xi32>
      %shift_left3A_313 = arith.shli %get3A_310, %shift_left3A_312 : vector<16xi32>
      %get3A_314 = arith.index_cast %scan3A_201 : i32 to index
      %get3A_315 = arith.constant 288 : index
      %get3A_316 = tpu.vector_load %arg6[%get3A_314, %get3A_315] {strides = array<i32>} : memref<64x512xi32, #tpu.memory_space<vmem>>, vector<16xi32>,
      %shift_left3A_317 = arith.constant 18 : i32
      %shift_left3A_318 = vector.broadcast %shift_left3A_317 : i32 to vector<16xi32>
      %shift_left3A_319 = arith.shli %get3A_316, %shift_left3A_318 : vector<16xi32>
      %get3A_320 = arith.index_cast %scan3A_201 : i32 to index
      %get3A_321 = arith.constant 304 : index
      %get3A_322 = tpu.vector_load %arg6[%get3A_320, %get3A_321] {strides = array<i32>} : memref<64x512xi32, #tpu.memory_space<vmem>>, vector<16xi32>,
      %shift_left3A_323 = arith.constant 19 : i32
      %shift_left3A_324 = vector.broadcast %shift_left3A_323 : i32 to vector<16xi32>
      %shift_left3A_325 = arith.shli %get3A_322, %shift_left3A_324 : vector<16xi32>
      %get3A_326 = arith.index_cast %scan3A_201 : i32 to index
      %get3A_327 = arith.constant 320 : index
      %get3A_328 = tpu.vector_load %arg6[%get3A_326, %get3A_327] {strides = array<i32>} : memref<64x512xi32, #tpu.memory_space<vmem>>, vector<16xi32>,
      %shift_left3A_329 = arith.constant 20 : i32
      %shift_left3A_330 = vector.broadcast %shift_left3A_329 : i32 to vector<16xi32>
      %shift_left3A_331 = arith.shli %get3A_328, %shift_left3A_330 : vector<16xi32>
      %get3A_332 = arith.index_cast %scan3A_201 : i32 to index
      %get3A_333 = arith.constant 336 : index
      %get3A_334 = tpu.vector_load %arg6[%get3A_332, %get3A_333] {strides = array<i32>} : memref<64x512xi32, #tpu.memory_space<vmem>>, vector<16xi32>,
      %shift_left3A_335 = arith.constant 21 : i32
      %shift_left3A_336 = vector.broadcast %shift_left3A_335 : i32 to vector<16xi32>
      %shift_left3A_337 = arith.shli %get3A_334, %shift_left3A_336 : vector<16xi32>
      %get3A_338 = arith.index_cast %scan3A_201 : i32 to index
      %get3A_339 = arith.constant 352 : index
      %get3A_340 = tpu.vector_load %arg6[%get3A_338, %get3A_339] {strides = array<i32>} : memref<64x512xi32, #tpu.memory_space<vmem>>, vector<16xi32>,
      %shift_left3A_341 = arith.constant 22 : i32
      %shift_left3A_342 = vector.broadcast %shift_left3A_341 : i32 to vector<16xi32>
      %shift_left3A_343 = arith.shli %get3A_340, %shift_left3A_342 : vector<16xi32>
      %get3A_344 = arith.index_cast %scan3A_201 : i32 to index
      %get3A_345 = arith.constant 368 : index
      %get3A_346 = tpu.vector_load %arg6[%get3A_344, %get3A_345] {strides = array<i32>} : memref<64x512xi32, #tpu.memory_space<vmem>>, vector<16xi32>,
      %shift_left3A_347 = arith.constant 23 : i32
      %shift_left3A_348 = vector.broadcast %shift_left3A_347 : i32 to vector<16xi32>
      %shift_left3A_349 = arith.shli %get3A_346, %shift_left3A_348 : vector<16xi32>
      %get3A_350 = arith.index_cast %scan3A_201 : i32 to index
      %get3A_351 = arith.constant 384 : index
      %get3A_352 = tpu.vector_load %arg6[%get3A_350, %get3A_351] {strides = array<i32>} : memref<64x512xi32, #tpu.memory_space<vmem>>, vector<16xi32>,
      %shift_left3A_353 = arith.constant 24 : i32
      %shift_left3A_354 = vector.broadcast %shift_left3A_353 : i32 to vector<16xi32>
      %shift_left3A_355 = arith.shli %get3A_352, %shift_left3A_354 : vector<16xi32>
      %get3A_356 = arith.index_cast %scan3A_201 : i32 to index
      %get3A_357 = arith.constant 400 : index
      %get3A_358 = tpu.vector_load %arg6[%get3A_356, %get3A_357] {strides = array<i32>} : memref<64x512xi32, #tpu.memory_space<vmem>>, vector<16xi32>,
      %shift_left3A_359 = arith.constant 25 : i32
      %shift_left3A_360 = vector.broadcast %shift_left3A_359 : i32 to vector<16xi32>
      %shift_left3A_361 = arith.shli %get3A_358, %shift_left3A_360 : vector<16xi32>
      %get3A_362 = arith.index_cast %scan3A_201 : i32 to index
      %get3A_363 = arith.constant 416 : index
      %get3A_364 = tpu.vector_load %arg6[%get3A_362, %get3A_363] {strides = array<i32>} : memref<64x512xi32, #tpu.memory_space<vmem>>, vector<16xi32>,
      %shift_left3A_365 = arith.constant 26 : i32
      %shift_left3A_366 = vector.broadcast %shift_left3A_365 : i32 to vector<16xi32>
      %shift_left3A_367 = arith.shli %get3A_364, %shift_left3A_366 : vector<16xi32>
      %get3A_368 = arith.index_cast %scan3A_201 : i32 to index
      %get3A_369 = arith.constant 432 : index
      %get3A_370 = tpu.vector_load %arg6[%get3A_368, %get3A_369] {strides = array<i32>} : memref<64x512xi32, #tpu.memory_space<vmem>>, vector<16xi32>,
      %shift_left3A_371 = arith.constant 27 : i32
      %shift_left3A_372 = vector.broadcast %shift_left3A_371 : i32 to vector<16xi32>
      %shift_left3A_373 = arith.shli %get3A_370, %shift_left3A_372 : vector<16xi32>
      %get3A_374 = arith.index_cast %scan3A_201 : i32 to index
      %get3A_375 = arith.constant 448 : index
      %get3A_376 = tpu.vector_load %arg6[%get3A_374, %get3A_375] {strides = array<i32>} : memref<64x512xi32, #tpu.memory_space<vmem>>, vector<16xi32>,
      %shift_left3A_377 = arith.constant 28 : i32
      %shift_left3A_378 = vector.broadcast %shift_left3A_377 : i32 to vector<16xi32>
      %shift_left3A_379 = arith.shli %get3A_376, %shift_left3A_378 : vector<16xi32>
      %get3A_380 = arith.index_cast %scan3A_201 : i32 to index
      %get3A_381 = arith.constant 464 : index
      %get3A_382 = tpu.vector_load %arg6[%get3A_380, %get3A_381] {strides = array<i32>} : memref<64x512xi32, #tpu.memory_space<vmem>>, vector<16xi32>,
      %shift_left3A_383 = arith.constant 29 : i32
      %shift_left3A_384 = vector.broadcast %shift_left3A_383 : i32 to vector<16xi32>
      %shift_left3A_385 = arith.shli %get3A_382, %shift_left3A_384 : vector<16xi32>
      %get3A_386 = arith.index_cast %scan3A_201 : i32 to index
      %get3A_387 = arith.constant 480 : index
      %get3A_388 = tpu.vector_load %arg6[%get3A_386, %get3A_387] {strides = array<i32>} : memref<64x512xi32, #tpu.memory_space<vmem>>, vector<16xi32>,
      %shift_left3A_389 = arith.constant 30 : i32
      %shift_left3A_390 = vector.broadcast %shift_left3A_389 : i32 to vector<16xi32>
      %shift_left3A_391 = arith.shli %get3A_388, %shift_left3A_390 : vector<16xi32>
      %get3A_392 = arith.index_cast %scan3A_201 : i32 to index
      %get3A_393 = arith.constant 496 : index
      %get3A_394 = tpu.vector_load %arg6[%get3A_392, %get3A_393] {strides = array<i32>} : memref<64x512xi32, #tpu.memory_space<vmem>>, vector<16xi32>,
      %shift_left3A_395 = arith.constant 31 : i32
      %shift_left3A_396 = vector.broadcast %shift_left3A_395 : i32 to vector<16xi32>
      %shift_left3A_397 = arith.shli %get3A_394, %shift_left3A_396 : vector<16xi32>
      %or3A = arith.ori %shift_left3A_211, %shift_left3A_217 : vector<16xi32>
      %or3A_398 = arith.ori %shift_left3A_223, %shift_left3A_229 : vector<16xi32>
      %or3A_399 = arith.ori %shift_left3A_235, %shift_left3A_241 : vector<16xi32>
      %or3A_400 = arith.ori %shift_left3A_247, %shift_left3A_253 : vector<16xi32>
      %or3A_401 = arith.ori %shift_left3A_259, %shift_left3A_265 : vector<16xi32>
      %or3A_402 = arith.ori %shift_left3A_271, %shift_left3A_277 : vector<16xi32>
      %or3A_403 = arith.ori %shift_left3A_283, %shift_left3A_289 : vector<16xi32>
      %or3A_404 = arith.ori %shift_left3A_295, %shift_left3A_301 : vector<16xi32>
      %or3A_405 = arith.ori %shift_left3A_307, %shift_left3A_313 : vector<16xi32>
      %or3A_406 = arith.ori %shift_left3A_319, %shift_left3A_325 : vector<16xi32>
      %or3A_407 = arith.ori %shift_left3A_331, %shift_left3A_337 : vector<16xi32>
      %or3A_408 = arith.ori %shift_left3A_343, %shift_left3A_349 : vector<16xi32>
      %or3A_409 = arith.ori %shift_left3A_355, %shift_left3A_361 : vector<16xi32>
      %or3A_410 = arith.ori %shift_left3A_367, %shift_left3A_373 : vector<16xi32>
      %or3A_411 = arith.ori %shift_left3A_379, %shift_left3A_385 : vector<16xi32>
      %or3A_412 = arith.ori %shift_left3A_391, %shift_left3A_397 : vector<16xi32>
      %or3A_413 = arith.ori %or3A, %or3A_398 : vector<16xi32>
      %or3A_414 = arith.ori %or3A_399, %or3A_400 : vector<16xi32>
      %or3A_415 = arith.ori %or3A_401, %or3A_402 : vector<16xi32>
      %or3A_416 = arith.ori %or3A_403, %or3A_404 : vector<16xi32>
      %or3A_417 = arith.ori %or3A_405, %or3A_406 : vector<16xi32>
      %or3A_418 = arith.ori %or3A_407, %or3A_408 : vector<16xi32>
      %or3A_419 = arith.ori %or3A_409, %or3A_410 : vector<16xi32>
      %or3A_420 = arith.ori %or3A_411, %or3A_412 : vector<16xi32>
      %or3A_421 = arith.ori %or3A_413, %or3A_414 : vector<16xi32>
      %or3A_422 = arith.ori %or3A_415, %or3A_416 : vector<16xi32>
      %or3A_423 = arith.ori %or3A_417, %or3A_418 : vector<16xi32>
      %or3A_424 = arith.ori %or3A_419, %or3A_420 : vector<16xi32>
      %or3A_425 = arith.ori %or3A_421, %or3A_422 : vector<16xi32>
      %or3A_426 = arith.ori %or3A_423, %or3A_424 : vector<16xi32>
      %or3A_427 = arith.ori %or3A_425, %or3A_426 : vector<16xi32>
      %not3A = arith.constant dense<-1> : vector<16xi32>
      %not3A_428 = arith.xori %or3A_427, %not3A : vector<16xi32>
      %not3A_429 = arith.constant dense<-1> : vector<16xi32>
      %not3A_430 = arith.xori %scan3A_202, %not3A_429 : vector<16xi32>
      %and3A = arith.andi %not3A_430, %select_n3A_78 : vector<16xi32>
      %and3A_431 = arith.andi %scan3A_202, %select_n3A_96 : vector<16xi32>
      %or3A_432 = arith.ori %and3A, %and3A_431 : vector<16xi32>
      %and3A_433 = arith.andi %not3A_428, %or3A_432 : vector<16xi32>
      %and3A_434 = arith.andi %not3A_430, %select_n3A_114 : vector<16xi32>
      %and3A_435 = arith.andi %scan3A_202, %select_n3A_132 : vector<16xi32>
      %or3A_436 = arith.ori %and3A_434, %and3A_435 : vector<16xi32>
      %and3A_437 = arith.andi %or3A_427, %or3A_436 : vector<16xi32>
      %or3A_438 = arith.ori %and3A_433, %and3A_437 : vector<16xi32>
      %not3A_439 = arith.constant dense<-1> : vector<16xi32>
      %not3A_440 = arith.xori %or3A_438, %not3A_439 : vector<16xi32>
      %and3A_441 = arith.andi %not3A_428, %not3A_440 : vector<16xi32>
      %or3A_442 = arith.ori %scan3A_203, %and3A_441 : vector<16xi32>
      %and3A_443 = arith.andi %not3A_428, %or3A_438 : vector<16xi32>
      %or3A_444 = arith.ori %scan3A_204, %and3A_443 : vector<16xi32>
      %and3A_445 = arith.andi %or3A_427, %not3A_440 : vector<16xi32>
      %or3A_446 = arith.ori %scan3A_205, %and3A_445 : vector<16xi32>
      %and3A_447 = arith.andi %or3A_427, %or3A_438 : vector<16xi32>
      %or3A_448 = arith.ori %scan3A_206, %and3A_447 : vector<16xi32>
      scf.yield %or3A_438, %or3A_442, %or3A_444, %or3A_446, %or3A_448 : vector<16xi32>, vector<16xi32>, vector<16xi32>, vector<16xi32>, vector<16xi32>
    }
    %scan3A_162 = arith.constant 16 : i32
    %dma_wait3A_163 = arith.constant 32 : i32
    %dma_wait3A_164 = arith.constant 0 : i32
    %dma_wait3A_165 = tpu.memref_slice %arg6[%dma_wait3A_163, %dma_wait3A_164] : memref<64x512xi32, #tpu.memory_space<vmem>> -> memref<16x512xi32, #tpu.memory_space<vmem>>
    %dma_wait3A_166 = arith.constant 32 : i32
    %dma_wait3A_167 = tpu.memref_slice %arg2[%dma_wait3A_166, %mul3A_2] : memref<64x16384xi32, #tpu.memory_space<hbm>> -> memref<16x512xi32, #tpu.memory_space<hbm>>
    %dma_wait3A_168 = arith.constant 32 : i32
    %dma_wait3A_169 = arith.constant 0 : i32
    %dma_wait3A_170 = tpu.memref_slice %arg6[%dma_wait3A_168, %dma_wait3A_169] : memref<64x512xi32, #tpu.memory_space<vmem>> -> memref<16x512xi32, #tpu.memory_space<vmem>>
    %dma_wait3A_171 = arith.constant 32 : i32
    %dma_wait3A_172 = tpu.memref_slice %arg2[%dma_wait3A_171, %mul3A_2] : memref<64x16384xi32, #tpu.memory_space<hbm>> -> memref<16x512xi32, #tpu.memory_space<hbm>>
    tpu.wait_dma2 semaphore(%arg12 : memref<!tpu.dma_semaphore, #tpu.memory_space<semaphore_mem>>) src(%dma_wait3A_172 : memref<16x512xi32, #tpu.memory_space<hbm>>) dst(%dma_wait3A_170 : memref<16x512xi32, #tpu.memory_space<vmem>>)
    %scan3A_173 = arith.constant 32 : i32
    %scan3A_174 = arith.constant 16 : i32
    %scan3A_175 = arith.addi %scan3A_173, %scan3A_174 : i32
    %scan3A_176 = arith.constant 1 : i32
    %scan3A_177:5 = scf.for %scan3A_201 = %scan3A_173 to %scan3A_175 step %scan3A_176 iter_args(%scan3A_202 = %scan3A_161#0, %scan3A_203 = %scan3A_161#1, %scan3A_204 = %scan3A_161#2, %scan3A_205 = %scan3A_161#3, %scan3A_206 = %scan3A_161#4) -> (vector<16xi32>, vector<16xi32>, vector<16xi32>, vector<16xi32>, vector<16xi32>)  : i32 {
      %get3A_207 = arith.index_cast %scan3A_201 : i32 to index
      %get3A_208 = arith.constant 0 : index
      %get3A_209 = tpu.vector_load %arg6[%get3A_207, %get3A_208] {strides = array<i32>} : memref<64x512xi32, #tpu.memory_space<vmem>>, vector<16xi32>,
      %shift_left3A = arith.constant 0 : i32
      %shift_left3A_210 = vector.broadcast %shift_left3A : i32 to vector<16xi32>
      %shift_left3A_211 = arith.shli %get3A_209, %shift_left3A_210 : vector<16xi32>
      %get3A_212 = arith.index_cast %scan3A_201 : i32 to index
      %get3A_213 = arith.constant 16 : index
      %get3A_214 = tpu.vector_load %arg6[%get3A_212, %get3A_213] {strides = array<i32>} : memref<64x512xi32, #tpu.memory_space<vmem>>, vector<16xi32>,
      %shift_left3A_215 = arith.constant 1 : i32
      %shift_left3A_216 = vector.broadcast %shift_left3A_215 : i32 to vector<16xi32>
      %shift_left3A_217 = arith.shli %get3A_214, %shift_left3A_216 : vector<16xi32>
      %get3A_218 = arith.index_cast %scan3A_201 : i32 to index
      %get3A_219 = arith.constant 32 : index
      %get3A_220 = tpu.vector_load %arg6[%get3A_218, %get3A_219] {strides = array<i32>} : memref<64x512xi32, #tpu.memory_space<vmem>>, vector<16xi32>,
      %shift_left3A_221 = arith.constant 2 : i32
      %shift_left3A_222 = vector.broadcast %shift_left3A_221 : i32 to vector<16xi32>
      %shift_left3A_223 = arith.shli %get3A_220, %shift_left3A_222 : vector<16xi32>
      %get3A_224 = arith.index_cast %scan3A_201 : i32 to index
      %get3A_225 = arith.constant 48 : index
      %get3A_226 = tpu.vector_load %arg6[%get3A_224, %get3A_225] {strides = array<i32>} : memref<64x512xi32, #tpu.memory_space<vmem>>, vector<16xi32>,
      %shift_left3A_227 = arith.constant 3 : i32
      %shift_left3A_228 = vector.broadcast %shift_left3A_227 : i32 to vector<16xi32>
      %shift_left3A_229 = arith.shli %get3A_226, %shift_left3A_228 : vector<16xi32>
      %get3A_230 = arith.index_cast %scan3A_201 : i32 to index
      %get3A_231 = arith.constant 64 : index
      %get3A_232 = tpu.vector_load %arg6[%get3A_230, %get3A_231] {strides = array<i32>} : memref<64x512xi32, #tpu.memory_space<vmem>>, vector<16xi32>,
      %shift_left3A_233 = arith.constant 4 : i32
      %shift_left3A_234 = vector.broadcast %shift_left3A_233 : i32 to vector<16xi32>
      %shift_left3A_235 = arith.shli %get3A_232, %shift_left3A_234 : vector<16xi32>
      %get3A_236 = arith.index_cast %scan3A_201 : i32 to index
      %get3A_237 = arith.constant 80 : index
      %get3A_238 = tpu.vector_load %arg6[%get3A_236, %get3A_237] {strides = array<i32>} : memref<64x512xi32, #tpu.memory_space<vmem>>, vector<16xi32>,
      %shift_left3A_239 = arith.constant 5 : i32
      %shift_left3A_240 = vector.broadcast %shift_left3A_239 : i32 to vector<16xi32>
      %shift_left3A_241 = arith.shli %get3A_238, %shift_left3A_240 : vector<16xi32>
      %get3A_242 = arith.index_cast %scan3A_201 : i32 to index
      %get3A_243 = arith.constant 96 : index
      %get3A_244 = tpu.vector_load %arg6[%get3A_242, %get3A_243] {strides = array<i32>} : memref<64x512xi32, #tpu.memory_space<vmem>>, vector<16xi32>,
      %shift_left3A_245 = arith.constant 6 : i32
      %shift_left3A_246 = vector.broadcast %shift_left3A_245 : i32 to vector<16xi32>
      %shift_left3A_247 = arith.shli %get3A_244, %shift_left3A_246 : vector<16xi32>
      %get3A_248 = arith.index_cast %scan3A_201 : i32 to index
      %get3A_249 = arith.constant 112 : index
      %get3A_250 = tpu.vector_load %arg6[%get3A_248, %get3A_249] {strides = array<i32>} : memref<64x512xi32, #tpu.memory_space<vmem>>, vector<16xi32>,
      %shift_left3A_251 = arith.constant 7 : i32
      %shift_left3A_252 = vector.broadcast %shift_left3A_251 : i32 to vector<16xi32>
      %shift_left3A_253 = arith.shli %get3A_250, %shift_left3A_252 : vector<16xi32>
      %get3A_254 = arith.index_cast %scan3A_201 : i32 to index
      %get3A_255 = arith.constant 128 : index
      %get3A_256 = tpu.vector_load %arg6[%get3A_254, %get3A_255] {strides = array<i32>} : memref<64x512xi32, #tpu.memory_space<vmem>>, vector<16xi32>,
      %shift_left3A_257 = arith.constant 8 : i32
      %shift_left3A_258 = vector.broadcast %shift_left3A_257 : i32 to vector<16xi32>
      %shift_left3A_259 = arith.shli %get3A_256, %shift_left3A_258 : vector<16xi32>
      %get3A_260 = arith.index_cast %scan3A_201 : i32 to index
      %get3A_261 = arith.constant 144 : index
      %get3A_262 = tpu.vector_load %arg6[%get3A_260, %get3A_261] {strides = array<i32>} : memref<64x512xi32, #tpu.memory_space<vmem>>, vector<16xi32>,
      %shift_left3A_263 = arith.constant 9 : i32
      %shift_left3A_264 = vector.broadcast %shift_left3A_263 : i32 to vector<16xi32>
      %shift_left3A_265 = arith.shli %get3A_262, %shift_left3A_264 : vector<16xi32>
      %get3A_266 = arith.index_cast %scan3A_201 : i32 to index
      %get3A_267 = arith.constant 160 : index
      %get3A_268 = tpu.vector_load %arg6[%get3A_266, %get3A_267] {strides = array<i32>} : memref<64x512xi32, #tpu.memory_space<vmem>>, vector<16xi32>,
      %shift_left3A_269 = arith.constant 10 : i32
      %shift_left3A_270 = vector.broadcast %shift_left3A_269 : i32 to vector<16xi32>
      %shift_left3A_271 = arith.shli %get3A_268, %shift_left3A_270 : vector<16xi32>
      %get3A_272 = arith.index_cast %scan3A_201 : i32 to index
      %get3A_273 = arith.constant 176 : index
      %get3A_274 = tpu.vector_load %arg6[%get3A_272, %get3A_273] {strides = array<i32>} : memref<64x512xi32, #tpu.memory_space<vmem>>, vector<16xi32>,
      %shift_left3A_275 = arith.constant 11 : i32
      %shift_left3A_276 = vector.broadcast %shift_left3A_275 : i32 to vector<16xi32>
      %shift_left3A_277 = arith.shli %get3A_274, %shift_left3A_276 : vector<16xi32>
      %get3A_278 = arith.index_cast %scan3A_201 : i32 to index
      %get3A_279 = arith.constant 192 : index
      %get3A_280 = tpu.vector_load %arg6[%get3A_278, %get3A_279] {strides = array<i32>} : memref<64x512xi32, #tpu.memory_space<vmem>>, vector<16xi32>,
      %shift_left3A_281 = arith.constant 12 : i32
      %shift_left3A_282 = vector.broadcast %shift_left3A_281 : i32 to vector<16xi32>
      %shift_left3A_283 = arith.shli %get3A_280, %shift_left3A_282 : vector<16xi32>
      %get3A_284 = arith.index_cast %scan3A_201 : i32 to index
      %get3A_285 = arith.constant 208 : index
      %get3A_286 = tpu.vector_load %arg6[%get3A_284, %get3A_285] {strides = array<i32>} : memref<64x512xi32, #tpu.memory_space<vmem>>, vector<16xi32>,
      %shift_left3A_287 = arith.constant 13 : i32
      %shift_left3A_288 = vector.broadcast %shift_left3A_287 : i32 to vector<16xi32>
      %shift_left3A_289 = arith.shli %get3A_286, %shift_left3A_288 : vector<16xi32>
      %get3A_290 = arith.index_cast %scan3A_201 : i32 to index
      %get3A_291 = arith.constant 224 : index
      %get3A_292 = tpu.vector_load %arg6[%get3A_290, %get3A_291] {strides = array<i32>} : memref<64x512xi32, #tpu.memory_space<vmem>>, vector<16xi32>,
      %shift_left3A_293 = arith.constant 14 : i32
      %shift_left3A_294 = vector.broadcast %shift_left3A_293 : i32 to vector<16xi32>
      %shift_left3A_295 = arith.shli %get3A_292, %shift_left3A_294 : vector<16xi32>
      %get3A_296 = arith.index_cast %scan3A_201 : i32 to index
      %get3A_297 = arith.constant 240 : index
      %get3A_298 = tpu.vector_load %arg6[%get3A_296, %get3A_297] {strides = array<i32>} : memref<64x512xi32, #tpu.memory_space<vmem>>, vector<16xi32>,
      %shift_left3A_299 = arith.constant 15 : i32
      %shift_left3A_300 = vector.broadcast %shift_left3A_299 : i32 to vector<16xi32>
      %shift_left3A_301 = arith.shli %get3A_298, %shift_left3A_300 : vector<16xi32>
      %get3A_302 = arith.index_cast %scan3A_201 : i32 to index
      %get3A_303 = arith.constant 256 : index
      %get3A_304 = tpu.vector_load %arg6[%get3A_302, %get3A_303] {strides = array<i32>} : memref<64x512xi32, #tpu.memory_space<vmem>>, vector<16xi32>,
      %shift_left3A_305 = arith.constant 16 : i32
      %shift_left3A_306 = vector.broadcast %shift_left3A_305 : i32 to vector<16xi32>
      %shift_left3A_307 = arith.shli %get3A_304, %shift_left3A_306 : vector<16xi32>
      %get3A_308 = arith.index_cast %scan3A_201 : i32 to index
      %get3A_309 = arith.constant 272 : index
      %get3A_310 = tpu.vector_load %arg6[%get3A_308, %get3A_309] {strides = array<i32>} : memref<64x512xi32, #tpu.memory_space<vmem>>, vector<16xi32>,
      %shift_left3A_311 = arith.constant 17 : i32
      %shift_left3A_312 = vector.broadcast %shift_left3A_311 : i32 to vector<16xi32>
      %shift_left3A_313 = arith.shli %get3A_310, %shift_left3A_312 : vector<16xi32>
      %get3A_314 = arith.index_cast %scan3A_201 : i32 to index
      %get3A_315 = arith.constant 288 : index
      %get3A_316 = tpu.vector_load %arg6[%get3A_314, %get3A_315] {strides = array<i32>} : memref<64x512xi32, #tpu.memory_space<vmem>>, vector<16xi32>,
      %shift_left3A_317 = arith.constant 18 : i32
      %shift_left3A_318 = vector.broadcast %shift_left3A_317 : i32 to vector<16xi32>
      %shift_left3A_319 = arith.shli %get3A_316, %shift_left3A_318 : vector<16xi32>
      %get3A_320 = arith.index_cast %scan3A_201 : i32 to index
      %get3A_321 = arith.constant 304 : index
      %get3A_322 = tpu.vector_load %arg6[%get3A_320, %get3A_321] {strides = array<i32>} : memref<64x512xi32, #tpu.memory_space<vmem>>, vector<16xi32>,
      %shift_left3A_323 = arith.constant 19 : i32
      %shift_left3A_324 = vector.broadcast %shift_left3A_323 : i32 to vector<16xi32>
      %shift_left3A_325 = arith.shli %get3A_322, %shift_left3A_324 : vector<16xi32>
      %get3A_326 = arith.index_cast %scan3A_201 : i32 to index
      %get3A_327 = arith.constant 320 : index
      %get3A_328 = tpu.vector_load %arg6[%get3A_326, %get3A_327] {strides = array<i32>} : memref<64x512xi32, #tpu.memory_space<vmem>>, vector<16xi32>,
      %shift_left3A_329 = arith.constant 20 : i32
      %shift_left3A_330 = vector.broadcast %shift_left3A_329 : i32 to vector<16xi32>
      %shift_left3A_331 = arith.shli %get3A_328, %shift_left3A_330 : vector<16xi32>
      %get3A_332 = arith.index_cast %scan3A_201 : i32 to index
      %get3A_333 = arith.constant 336 : index
      %get3A_334 = tpu.vector_load %arg6[%get3A_332, %get3A_333] {strides = array<i32>} : memref<64x512xi32, #tpu.memory_space<vmem>>, vector<16xi32>,
      %shift_left3A_335 = arith.constant 21 : i32
      %shift_left3A_336 = vector.broadcast %shift_left3A_335 : i32 to vector<16xi32>
      %shift_left3A_337 = arith.shli %get3A_334, %shift_left3A_336 : vector<16xi32>
      %get3A_338 = arith.index_cast %scan3A_201 : i32 to index
      %get3A_339 = arith.constant 352 : index
      %get3A_340 = tpu.vector_load %arg6[%get3A_338, %get3A_339] {strides = array<i32>} : memref<64x512xi32, #tpu.memory_space<vmem>>, vector<16xi32>,
      %shift_left3A_341 = arith.constant 22 : i32
      %shift_left3A_342 = vector.broadcast %shift_left3A_341 : i32 to vector<16xi32>
      %shift_left3A_343 = arith.shli %get3A_340, %shift_left3A_342 : vector<16xi32>
      %get3A_344 = arith.index_cast %scan3A_201 : i32 to index
      %get3A_345 = arith.constant 368 : index
      %get3A_346 = tpu.vector_load %arg6[%get3A_344, %get3A_345] {strides = array<i32>} : memref<64x512xi32, #tpu.memory_space<vmem>>, vector<16xi32>,
      %shift_left3A_347 = arith.constant 23 : i32
      %shift_left3A_348 = vector.broadcast %shift_left3A_347 : i32 to vector<16xi32>
      %shift_left3A_349 = arith.shli %get3A_346, %shift_left3A_348 : vector<16xi32>
      %get3A_350 = arith.index_cast %scan3A_201 : i32 to index
      %get3A_351 = arith.constant 384 : index
      %get3A_352 = tpu.vector_load %arg6[%get3A_350, %get3A_351] {strides = array<i32>} : memref<64x512xi32, #tpu.memory_space<vmem>>, vector<16xi32>,
      %shift_left3A_353 = arith.constant 24 : i32
      %shift_left3A_354 = vector.broadcast %shift_left3A_353 : i32 to vector<16xi32>
      %shift_left3A_355 = arith.shli %get3A_352, %shift_left3A_354 : vector<16xi32>
      %get3A_356 = arith.index_cast %scan3A_201 : i32 to index
      %get3A_357 = arith.constant 400 : index
      %get3A_358 = tpu.vector_load %arg6[%get3A_356, %get3A_357] {strides = array<i32>} : memref<64x512xi32, #tpu.memory_space<vmem>>, vector<16xi32>,
      %shift_left3A_359 = arith.constant 25 : i32
      %shift_left3A_360 = vector.broadcast %shift_left3A_359 : i32 to vector<16xi32>
      %shift_left3A_361 = arith.shli %get3A_358, %shift_left3A_360 : vector<16xi32>
      %get3A_362 = arith.index_cast %scan3A_201 : i32 to index
      %get3A_363 = arith.constant 416 : index
      %get3A_364 = tpu.vector_load %arg6[%get3A_362, %get3A_363] {strides = array<i32>} : memref<64x512xi32, #tpu.memory_space<vmem>>, vector<16xi32>,
      %shift_left3A_365 = arith.constant 26 : i32
      %shift_left3A_366 = vector.broadcast %shift_left3A_365 : i32 to vector<16xi32>
      %shift_left3A_367 = arith.shli %get3A_364, %shift_left3A_366 : vector<16xi32>
      %get3A_368 = arith.index_cast %scan3A_201 : i32 to index
      %get3A_369 = arith.constant 432 : index
      %get3A_370 = tpu.vector_load %arg6[%get3A_368, %get3A_369] {strides = array<i32>} : memref<64x512xi32, #tpu.memory_space<vmem>>, vector<16xi32>,
      %shift_left3A_371 = arith.constant 27 : i32
      %shift_left3A_372 = vector.broadcast %shift_left3A_371 : i32 to vector<16xi32>
      %shift_left3A_373 = arith.shli %get3A_370, %shift_left3A_372 : vector<16xi32>
      %get3A_374 = arith.index_cast %scan3A_201 : i32 to index
      %get3A_375 = arith.constant 448 : index
      %get3A_376 = tpu.vector_load %arg6[%get3A_374, %get3A_375] {strides = array<i32>} : memref<64x512xi32, #tpu.memory_space<vmem>>, vector<16xi32>,
      %shift_left3A_377 = arith.constant 28 : i32
      %shift_left3A_378 = vector.broadcast %shift_left3A_377 : i32 to vector<16xi32>
      %shift_left3A_379 = arith.shli %get3A_376, %shift_left3A_378 : vector<16xi32>
      %get3A_380 = arith.index_cast %scan3A_201 : i32 to index
      %get3A_381 = arith.constant 464 : index
      %get3A_382 = tpu.vector_load %arg6[%get3A_380, %get3A_381] {strides = array<i32>} : memref<64x512xi32, #tpu.memory_space<vmem>>, vector<16xi32>,
      %shift_left3A_383 = arith.constant 29 : i32
      %shift_left3A_384 = vector.broadcast %shift_left3A_383 : i32 to vector<16xi32>
      %shift_left3A_385 = arith.shli %get3A_382, %shift_left3A_384 : vector<16xi32>
      %get3A_386 = arith.index_cast %scan3A_201 : i32 to index
      %get3A_387 = arith.constant 480 : index
      %get3A_388 = tpu.vector_load %arg6[%get3A_386, %get3A_387] {strides = array<i32>} : memref<64x512xi32, #tpu.memory_space<vmem>>, vector<16xi32>,
      %shift_left3A_389 = arith.constant 30 : i32
      %shift_left3A_390 = vector.broadcast %shift_left3A_389 : i32 to vector<16xi32>
      %shift_left3A_391 = arith.shli %get3A_388, %shift_left3A_390 : vector<16xi32>
      %get3A_392 = arith.index_cast %scan3A_201 : i32 to index
      %get3A_393 = arith.constant 496 : index
      %get3A_394 = tpu.vector_load %arg6[%get3A_392, %get3A_393] {strides = array<i32>} : memref<64x512xi32, #tpu.memory_space<vmem>>, vector<16xi32>,
      %shift_left3A_395 = arith.constant 31 : i32
      %shift_left3A_396 = vector.broadcast %shift_left3A_395 : i32 to vector<16xi32>
      %shift_left3A_397 = arith.shli %get3A_394, %shift_left3A_396 : vector<16xi32>
      %or3A = arith.ori %shift_left3A_211, %shift_left3A_217 : vector<16xi32>
      %or3A_398 = arith.ori %shift_left3A_223, %shift_left3A_229 : vector<16xi32>
      %or3A_399 = arith.ori %shift_left3A_235, %shift_left3A_241 : vector<16xi32>
      %or3A_400 = arith.ori %shift_left3A_247, %shift_left3A_253 : vector<16xi32>
      %or3A_401 = arith.ori %shift_left3A_259, %shift_left3A_265 : vector<16xi32>
      %or3A_402 = arith.ori %shift_left3A_271, %shift_left3A_277 : vector<16xi32>
      %or3A_403 = arith.ori %shift_left3A_283, %shift_left3A_289 : vector<16xi32>
      %or3A_404 = arith.ori %shift_left3A_295, %shift_left3A_301 : vector<16xi32>
      %or3A_405 = arith.ori %shift_left3A_307, %shift_left3A_313 : vector<16xi32>
      %or3A_406 = arith.ori %shift_left3A_319, %shift_left3A_325 : vector<16xi32>
      %or3A_407 = arith.ori %shift_left3A_331, %shift_left3A_337 : vector<16xi32>
      %or3A_408 = arith.ori %shift_left3A_343, %shift_left3A_349 : vector<16xi32>
      %or3A_409 = arith.ori %shift_left3A_355, %shift_left3A_361 : vector<16xi32>
      %or3A_410 = arith.ori %shift_left3A_367, %shift_left3A_373 : vector<16xi32>
      %or3A_411 = arith.ori %shift_left3A_379, %shift_left3A_385 : vector<16xi32>
      %or3A_412 = arith.ori %shift_left3A_391, %shift_left3A_397 : vector<16xi32>
      %or3A_413 = arith.ori %or3A, %or3A_398 : vector<16xi32>
      %or3A_414 = arith.ori %or3A_399, %or3A_400 : vector<16xi32>
      %or3A_415 = arith.ori %or3A_401, %or3A_402 : vector<16xi32>
      %or3A_416 = arith.ori %or3A_403, %or3A_404 : vector<16xi32>
      %or3A_417 = arith.ori %or3A_405, %or3A_406 : vector<16xi32>
      %or3A_418 = arith.ori %or3A_407, %or3A_408 : vector<16xi32>
      %or3A_419 = arith.ori %or3A_409, %or3A_410 : vector<16xi32>
      %or3A_420 = arith.ori %or3A_411, %or3A_412 : vector<16xi32>
      %or3A_421 = arith.ori %or3A_413, %or3A_414 : vector<16xi32>
      %or3A_422 = arith.ori %or3A_415, %or3A_416 : vector<16xi32>
      %or3A_423 = arith.ori %or3A_417, %or3A_418 : vector<16xi32>
      %or3A_424 = arith.ori %or3A_419, %or3A_420 : vector<16xi32>
      %or3A_425 = arith.ori %or3A_421, %or3A_422 : vector<16xi32>
      %or3A_426 = arith.ori %or3A_423, %or3A_424 : vector<16xi32>
      %or3A_427 = arith.ori %or3A_425, %or3A_426 : vector<16xi32>
      %not3A = arith.constant dense<-1> : vector<16xi32>
      %not3A_428 = arith.xori %or3A_427, %not3A : vector<16xi32>
      %not3A_429 = arith.constant dense<-1> : vector<16xi32>
      %not3A_430 = arith.xori %scan3A_202, %not3A_429 : vector<16xi32>
      %and3A = arith.andi %not3A_430, %select_n3A_78 : vector<16xi32>
      %and3A_431 = arith.andi %scan3A_202, %select_n3A_96 : vector<16xi32>
      %or3A_432 = arith.ori %and3A, %and3A_431 : vector<16xi32>
      %and3A_433 = arith.andi %not3A_428, %or3A_432 : vector<16xi32>
      %and3A_434 = arith.andi %not3A_430, %select_n3A_114 : vector<16xi32>
      %and3A_435 = arith.andi %scan3A_202, %select_n3A_132 : vector<16xi32>
      %or3A_436 = arith.ori %and3A_434, %and3A_435 : vector<16xi32>
      %and3A_437 = arith.andi %or3A_427, %or3A_436 : vector<16xi32>
      %or3A_438 = arith.ori %and3A_433, %and3A_437 : vector<16xi32>
      %not3A_439 = arith.constant dense<-1> : vector<16xi32>
      %not3A_440 = arith.xori %or3A_438, %not3A_439 : vector<16xi32>
      %and3A_441 = arith.andi %not3A_428, %not3A_440 : vector<16xi32>
      %or3A_442 = arith.ori %scan3A_203, %and3A_441 : vector<16xi32>
      %and3A_443 = arith.andi %not3A_428, %or3A_438 : vector<16xi32>
      %or3A_444 = arith.ori %scan3A_204, %and3A_443 : vector<16xi32>
      %and3A_445 = arith.andi %or3A_427, %not3A_440 : vector<16xi32>
      %or3A_446 = arith.ori %scan3A_205, %and3A_445 : vector<16xi32>
      %and3A_447 = arith.andi %or3A_427, %or3A_438 : vector<16xi32>
      %or3A_448 = arith.ori %scan3A_206, %and3A_447 : vector<16xi32>
      scf.yield %or3A_438, %or3A_442, %or3A_444, %or3A_446, %or3A_448 : vector<16xi32>, vector<16xi32>, vector<16xi32>, vector<16xi32>, vector<16xi32>
    }
    %scan3A_178 = arith.constant 16 : i32
    %dma_wait3A_179 = arith.constant 48 : i32
    %dma_wait3A_180 = arith.constant 0 : i32
    %dma_wait3A_181 = tpu.memref_slice %arg6[%dma_wait3A_179, %dma_wait3A_180] : memref<64x512xi32, #tpu.memory_space<vmem>> -> memref<16x512xi32, #tpu.memory_space<vmem>>
    %dma_wait3A_182 = arith.constant 48 : i32
    %dma_wait3A_183 = tpu.memref_slice %arg2[%dma_wait3A_182, %mul3A_2] : memref<64x16384xi32, #tpu.memory_space<hbm>> -> memref<16x512xi32, #tpu.memory_space<hbm>>
    %dma_wait3A_184 = arith.constant 48 : i32
    %dma_wait3A_185 = arith.constant 0 : i32
    %dma_wait3A_186 = tpu.memref_slice %arg6[%dma_wait3A_184, %dma_wait3A_185] : memref<64x512xi32, #tpu.memory_space<vmem>> -> memref<16x512xi32, #tpu.memory_space<vmem>>
    %dma_wait3A_187 = arith.constant 48 : i32
    %dma_wait3A_188 = tpu.memref_slice %arg2[%dma_wait3A_187, %mul3A_2] : memref<64x16384xi32, #tpu.memory_space<hbm>> -> memref<16x512xi32, #tpu.memory_space<hbm>>
    tpu.wait_dma2 semaphore(%arg13 : memref<!tpu.dma_semaphore, #tpu.memory_space<semaphore_mem>>) src(%dma_wait3A_188 : memref<16x512xi32, #tpu.memory_space<hbm>>) dst(%dma_wait3A_186 : memref<16x512xi32, #tpu.memory_space<vmem>>)
    %scan3A_189 = arith.constant 48 : i32
    %scan3A_190 = arith.constant 16 : i32
    %scan3A_191 = arith.addi %scan3A_189, %scan3A_190 : i32
    %scan3A_192 = arith.constant 1 : i32
    %scan3A_193:5 = scf.for %scan3A_201 = %scan3A_189 to %scan3A_191 step %scan3A_192 iter_args(%scan3A_202 = %scan3A_177#0, %scan3A_203 = %scan3A_177#1, %scan3A_204 = %scan3A_177#2, %scan3A_205 = %scan3A_177#3, %scan3A_206 = %scan3A_177#4) -> (vector<16xi32>, vector<16xi32>, vector<16xi32>, vector<16xi32>, vector<16xi32>)  : i32 {
      %get3A_207 = arith.index_cast %scan3A_201 : i32 to index
      %get3A_208 = arith.constant 0 : index
      %get3A_209 = tpu.vector_load %arg6[%get3A_207, %get3A_208] {strides = array<i32>} : memref<64x512xi32, #tpu.memory_space<vmem>>, vector<16xi32>,
      %shift_left3A = arith.constant 0 : i32
      %shift_left3A_210 = vector.broadcast %shift_left3A : i32 to vector<16xi32>
      %shift_left3A_211 = arith.shli %get3A_209, %shift_left3A_210 : vector<16xi32>
      %get3A_212 = arith.index_cast %scan3A_201 : i32 to index
      %get3A_213 = arith.constant 16 : index
      %get3A_214 = tpu.vector_load %arg6[%get3A_212, %get3A_213] {strides = array<i32>} : memref<64x512xi32, #tpu.memory_space<vmem>>, vector<16xi32>,
      %shift_left3A_215 = arith.constant 1 : i32
      %shift_left3A_216 = vector.broadcast %shift_left3A_215 : i32 to vector<16xi32>
      %shift_left3A_217 = arith.shli %get3A_214, %shift_left3A_216 : vector<16xi32>
      %get3A_218 = arith.index_cast %scan3A_201 : i32 to index
      %get3A_219 = arith.constant 32 : index
      %get3A_220 = tpu.vector_load %arg6[%get3A_218, %get3A_219] {strides = array<i32>} : memref<64x512xi32, #tpu.memory_space<vmem>>, vector<16xi32>,
      %shift_left3A_221 = arith.constant 2 : i32
      %shift_left3A_222 = vector.broadcast %shift_left3A_221 : i32 to vector<16xi32>
      %shift_left3A_223 = arith.shli %get3A_220, %shift_left3A_222 : vector<16xi32>
      %get3A_224 = arith.index_cast %scan3A_201 : i32 to index
      %get3A_225 = arith.constant 48 : index
      %get3A_226 = tpu.vector_load %arg6[%get3A_224, %get3A_225] {strides = array<i32>} : memref<64x512xi32, #tpu.memory_space<vmem>>, vector<16xi32>,
      %shift_left3A_227 = arith.constant 3 : i32
      %shift_left3A_228 = vector.broadcast %shift_left3A_227 : i32 to vector<16xi32>
      %shift_left3A_229 = arith.shli %get3A_226, %shift_left3A_228 : vector<16xi32>
      %get3A_230 = arith.index_cast %scan3A_201 : i32 to index
      %get3A_231 = arith.constant 64 : index
      %get3A_232 = tpu.vector_load %arg6[%get3A_230, %get3A_231] {strides = array<i32>} : memref<64x512xi32, #tpu.memory_space<vmem>>, vector<16xi32>,
      %shift_left3A_233 = arith.constant 4 : i32
      %shift_left3A_234 = vector.broadcast %shift_left3A_233 : i32 to vector<16xi32>
      %shift_left3A_235 = arith.shli %get3A_232, %shift_left3A_234 : vector<16xi32>
      %get3A_236 = arith.index_cast %scan3A_201 : i32 to index
      %get3A_237 = arith.constant 80 : index
      %get3A_238 = tpu.vector_load %arg6[%get3A_236, %get3A_237] {strides = array<i32>} : memref<64x512xi32, #tpu.memory_space<vmem>>, vector<16xi32>,
      %shift_left3A_239 = arith.constant 5 : i32
      %shift_left3A_240 = vector.broadcast %shift_left3A_239 : i32 to vector<16xi32>
      %shift_left3A_241 = arith.shli %get3A_238, %shift_left3A_240 : vector<16xi32>
      %get3A_242 = arith.index_cast %scan3A_201 : i32 to index
      %get3A_243 = arith.constant 96 : index
      %get3A_244 = tpu.vector_load %arg6[%get3A_242, %get3A_243] {strides = array<i32>} : memref<64x512xi32, #tpu.memory_space<vmem>>, vector<16xi32>,
      %shift_left3A_245 = arith.constant 6 : i32
      %shift_left3A_246 = vector.broadcast %shift_left3A_245 : i32 to vector<16xi32>
      %shift_left3A_247 = arith.shli %get3A_244, %shift_left3A_246 : vector<16xi32>
      %get3A_248 = arith.index_cast %scan3A_201 : i32 to index
      %get3A_249 = arith.constant 112 : index
      %get3A_250 = tpu.vector_load %arg6[%get3A_248, %get3A_249] {strides = array<i32>} : memref<64x512xi32, #tpu.memory_space<vmem>>, vector<16xi32>,
      %shift_left3A_251 = arith.constant 7 : i32
      %shift_left3A_252 = vector.broadcast %shift_left3A_251 : i32 to vector<16xi32>
      %shift_left3A_253 = arith.shli %get3A_250, %shift_left3A_252 : vector<16xi32>
      %get3A_254 = arith.index_cast %scan3A_201 : i32 to index
      %get3A_255 = arith.constant 128 : index
      %get3A_256 = tpu.vector_load %arg6[%get3A_254, %get3A_255] {strides = array<i32>} : memref<64x512xi32, #tpu.memory_space<vmem>>, vector<16xi32>,
      %shift_left3A_257 = arith.constant 8 : i32
      %shift_left3A_258 = vector.broadcast %shift_left3A_257 : i32 to vector<16xi32>
      %shift_left3A_259 = arith.shli %get3A_256, %shift_left3A_258 : vector<16xi32>
      %get3A_260 = arith.index_cast %scan3A_201 : i32 to index
      %get3A_261 = arith.constant 144 : index
      %get3A_262 = tpu.vector_load %arg6[%get3A_260, %get3A_261] {strides = array<i32>} : memref<64x512xi32, #tpu.memory_space<vmem>>, vector<16xi32>,
      %shift_left3A_263 = arith.constant 9 : i32
      %shift_left3A_264 = vector.broadcast %shift_left3A_263 : i32 to vector<16xi32>
      %shift_left3A_265 = arith.shli %get3A_262, %shift_left3A_264 : vector<16xi32>
      %get3A_266 = arith.index_cast %scan3A_201 : i32 to index
      %get3A_267 = arith.constant 160 : index
      %get3A_268 = tpu.vector_load %arg6[%get3A_266, %get3A_267] {strides = array<i32>} : memref<64x512xi32, #tpu.memory_space<vmem>>, vector<16xi32>,
      %shift_left3A_269 = arith.constant 10 : i32
      %shift_left3A_270 = vector.broadcast %shift_left3A_269 : i32 to vector<16xi32>
      %shift_left3A_271 = arith.shli %get3A_268, %shift_left3A_270 : vector<16xi32>
      %get3A_272 = arith.index_cast %scan3A_201 : i32 to index
      %get3A_273 = arith.constant 176 : index
      %get3A_274 = tpu.vector_load %arg6[%get3A_272, %get3A_273] {strides = array<i32>} : memref<64x512xi32, #tpu.memory_space<vmem>>, vector<16xi32>,
      %shift_left3A_275 = arith.constant 11 : i32
      %shift_left3A_276 = vector.broadcast %shift_left3A_275 : i32 to vector<16xi32>
      %shift_left3A_277 = arith.shli %get3A_274, %shift_left3A_276 : vector<16xi32>
      %get3A_278 = arith.index_cast %scan3A_201 : i32 to index
      %get3A_279 = arith.constant 192 : index
      %get3A_280 = tpu.vector_load %arg6[%get3A_278, %get3A_279] {strides = array<i32>} : memref<64x512xi32, #tpu.memory_space<vmem>>, vector<16xi32>,
      %shift_left3A_281 = arith.constant 12 : i32
      %shift_left3A_282 = vector.broadcast %shift_left3A_281 : i32 to vector<16xi32>
      %shift_left3A_283 = arith.shli %get3A_280, %shift_left3A_282 : vector<16xi32>
      %get3A_284 = arith.index_cast %scan3A_201 : i32 to index
      %get3A_285 = arith.constant 208 : index
      %get3A_286 = tpu.vector_load %arg6[%get3A_284, %get3A_285] {strides = array<i32>} : memref<64x512xi32, #tpu.memory_space<vmem>>, vector<16xi32>,
      %shift_left3A_287 = arith.constant 13 : i32
      %shift_left3A_288 = vector.broadcast %shift_left3A_287 : i32 to vector<16xi32>
      %shift_left3A_289 = arith.shli %get3A_286, %shift_left3A_288 : vector<16xi32>
      %get3A_290 = arith.index_cast %scan3A_201 : i32 to index
      %get3A_291 = arith.constant 224 : index
      %get3A_292 = tpu.vector_load %arg6[%get3A_290, %get3A_291] {strides = array<i32>} : memref<64x512xi32, #tpu.memory_space<vmem>>, vector<16xi32>,
      %shift_left3A_293 = arith.constant 14 : i32
      %shift_left3A_294 = vector.broadcast %shift_left3A_293 : i32 to vector<16xi32>
      %shift_left3A_295 = arith.shli %get3A_292, %shift_left3A_294 : vector<16xi32>
      %get3A_296 = arith.index_cast %scan3A_201 : i32 to index
      %get3A_297 = arith.constant 240 : index
      %get3A_298 = tpu.vector_load %arg6[%get3A_296, %get3A_297] {strides = array<i32>} : memref<64x512xi32, #tpu.memory_space<vmem>>, vector<16xi32>,
      %shift_left3A_299 = arith.constant 15 : i32
      %shift_left3A_300 = vector.broadcast %shift_left3A_299 : i32 to vector<16xi32>
      %shift_left3A_301 = arith.shli %get3A_298, %shift_left3A_300 : vector<16xi32>
      %get3A_302 = arith.index_cast %scan3A_201 : i32 to index
      %get3A_303 = arith.constant 256 : index
      %get3A_304 = tpu.vector_load %arg6[%get3A_302, %get3A_303] {strides = array<i32>} : memref<64x512xi32, #tpu.memory_space<vmem>>, vector<16xi32>,
      %shift_left3A_305 = arith.constant 16 : i32
      %shift_left3A_306 = vector.broadcast %shift_left3A_305 : i32 to vector<16xi32>
      %shift_left3A_307 = arith.shli %get3A_304, %shift_left3A_306 : vector<16xi32>
      %get3A_308 = arith.index_cast %scan3A_201 : i32 to index
      %get3A_309 = arith.constant 272 : index
      %get3A_310 = tpu.vector_load %arg6[%get3A_308, %get3A_309] {strides = array<i32>} : memref<64x512xi32, #tpu.memory_space<vmem>>, vector<16xi32>,
      %shift_left3A_311 = arith.constant 17 : i32
      %shift_left3A_312 = vector.broadcast %shift_left3A_311 : i32 to vector<16xi32>
      %shift_left3A_313 = arith.shli %get3A_310, %shift_left3A_312 : vector<16xi32>
      %get3A_314 = arith.index_cast %scan3A_201 : i32 to index
      %get3A_315 = arith.constant 288 : index
      %get3A_316 = tpu.vector_load %arg6[%get3A_314, %get3A_315] {strides = array<i32>} : memref<64x512xi32, #tpu.memory_space<vmem>>, vector<16xi32>,
      %shift_left3A_317 = arith.constant 18 : i32
      %shift_left3A_318 = vector.broadcast %shift_left3A_317 : i32 to vector<16xi32>
      %shift_left3A_319 = arith.shli %get3A_316, %shift_left3A_318 : vector<16xi32>
      %get3A_320 = arith.index_cast %scan3A_201 : i32 to index
      %get3A_321 = arith.constant 304 : index
      %get3A_322 = tpu.vector_load %arg6[%get3A_320, %get3A_321] {strides = array<i32>} : memref<64x512xi32, #tpu.memory_space<vmem>>, vector<16xi32>,
      %shift_left3A_323 = arith.constant 19 : i32
      %shift_left3A_324 = vector.broadcast %shift_left3A_323 : i32 to vector<16xi32>
      %shift_left3A_325 = arith.shli %get3A_322, %shift_left3A_324 : vector<16xi32>
      %get3A_326 = arith.index_cast %scan3A_201 : i32 to index
      %get3A_327 = arith.constant 320 : index
      %get3A_328 = tpu.vector_load %arg6[%get3A_326, %get3A_327] {strides = array<i32>} : memref<64x512xi32, #tpu.memory_space<vmem>>, vector<16xi32>,
      %shift_left3A_329 = arith.constant 20 : i32
      %shift_left3A_330 = vector.broadcast %shift_left3A_329 : i32 to vector<16xi32>
      %shift_left3A_331 = arith.shli %get3A_328, %shift_left3A_330 : vector<16xi32>
      %get3A_332 = arith.index_cast %scan3A_201 : i32 to index
      %get3A_333 = arith.constant 336 : index
      %get3A_334 = tpu.vector_load %arg6[%get3A_332, %get3A_333] {strides = array<i32>} : memref<64x512xi32, #tpu.memory_space<vmem>>, vector<16xi32>,
      %shift_left3A_335 = arith.constant 21 : i32
      %shift_left3A_336 = vector.broadcast %shift_left3A_335 : i32 to vector<16xi32>
      %shift_left3A_337 = arith.shli %get3A_334, %shift_left3A_336 : vector<16xi32>
      %get3A_338 = arith.index_cast %scan3A_201 : i32 to index
      %get3A_339 = arith.constant 352 : index
      %get3A_340 = tpu.vector_load %arg6[%get3A_338, %get3A_339] {strides = array<i32>} : memref<64x512xi32, #tpu.memory_space<vmem>>, vector<16xi32>,
      %shift_left3A_341 = arith.constant 22 : i32
      %shift_left3A_342 = vector.broadcast %shift_left3A_341 : i32 to vector<16xi32>
      %shift_left3A_343 = arith.shli %get3A_340, %shift_left3A_342 : vector<16xi32>
      %get3A_344 = arith.index_cast %scan3A_201 : i32 to index
      %get3A_345 = arith.constant 368 : index
      %get3A_346 = tpu.vector_load %arg6[%get3A_344, %get3A_345] {strides = array<i32>} : memref<64x512xi32, #tpu.memory_space<vmem>>, vector<16xi32>,
      %shift_left3A_347 = arith.constant 23 : i32
      %shift_left3A_348 = vector.broadcast %shift_left3A_347 : i32 to vector<16xi32>
      %shift_left3A_349 = arith.shli %get3A_346, %shift_left3A_348 : vector<16xi32>
      %get3A_350 = arith.index_cast %scan3A_201 : i32 to index
      %get3A_351 = arith.constant 384 : index
      %get3A_352 = tpu.vector_load %arg6[%get3A_350, %get3A_351] {strides = array<i32>} : memref<64x512xi32, #tpu.memory_space<vmem>>, vector<16xi32>,
      %shift_left3A_353 = arith.constant 24 : i32
      %shift_left3A_354 = vector.broadcast %shift_left3A_353 : i32 to vector<16xi32>
      %shift_left3A_355 = arith.shli %get3A_352, %shift_left3A_354 : vector<16xi32>
      %get3A_356 = arith.index_cast %scan3A_201 : i32 to index
      %get3A_357 = arith.constant 400 : index
      %get3A_358 = tpu.vector_load %arg6[%get3A_356, %get3A_357] {strides = array<i32>} : memref<64x512xi32, #tpu.memory_space<vmem>>, vector<16xi32>,
      %shift_left3A_359 = arith.constant 25 : i32
      %shift_left3A_360 = vector.broadcast %shift_left3A_359 : i32 to vector<16xi32>
      %shift_left3A_361 = arith.shli %get3A_358, %shift_left3A_360 : vector<16xi32>
      %get3A_362 = arith.index_cast %scan3A_201 : i32 to index
      %get3A_363 = arith.constant 416 : index
      %get3A_364 = tpu.vector_load %arg6[%get3A_362, %get3A_363] {strides = array<i32>} : memref<64x512xi32, #tpu.memory_space<vmem>>, vector<16xi32>,
      %shift_left3A_365 = arith.constant 26 : i32
      %shift_left3A_366 = vector.broadcast %shift_left3A_365 : i32 to vector<16xi32>
      %shift_left3A_367 = arith.shli %get3A_364, %shift_left3A_366 : vector<16xi32>
      %get3A_368 = arith.index_cast %scan3A_201 : i32 to index
      %get3A_369 = arith.constant 432 : index
      %get3A_370 = tpu.vector_load %arg6[%get3A_368, %get3A_369] {strides = array<i32>} : memref<64x512xi32, #tpu.memory_space<vmem>>, vector<16xi32>,
      %shift_left3A_371 = arith.constant 27 : i32
      %shift_left3A_372 = vector.broadcast %shift_left3A_371 : i32 to vector<16xi32>
      %shift_left3A_373 = arith.shli %get3A_370, %shift_left3A_372 : vector<16xi32>
      %get3A_374 = arith.index_cast %scan3A_201 : i32 to index
      %get3A_375 = arith.constant 448 : index
      %get3A_376 = tpu.vector_load %arg6[%get3A_374, %get3A_375] {strides = array<i32>} : memref<64x512xi32, #tpu.memory_space<vmem>>, vector<16xi32>,
      %shift_left3A_377 = arith.constant 28 : i32
      %shift_left3A_378 = vector.broadcast %shift_left3A_377 : i32 to vector<16xi32>
      %shift_left3A_379 = arith.shli %get3A_376, %shift_left3A_378 : vector<16xi32>
      %get3A_380 = arith.index_cast %scan3A_201 : i32 to index
      %get3A_381 = arith.constant 464 : index
      %get3A_382 = tpu.vector_load %arg6[%get3A_380, %get3A_381] {strides = array<i32>} : memref<64x512xi32, #tpu.memory_space<vmem>>, vector<16xi32>,
      %shift_left3A_383 = arith.constant 29 : i32
      %shift_left3A_384 = vector.broadcast %shift_left3A_383 : i32 to vector<16xi32>
      %shift_left3A_385 = arith.shli %get3A_382, %shift_left3A_384 : vector<16xi32>
      %get3A_386 = arith.index_cast %scan3A_201 : i32 to index
      %get3A_387 = arith.constant 480 : index
      %get3A_388 = tpu.vector_load %arg6[%get3A_386, %get3A_387] {strides = array<i32>} : memref<64x512xi32, #tpu.memory_space<vmem>>, vector<16xi32>,
      %shift_left3A_389 = arith.constant 30 : i32
      %shift_left3A_390 = vector.broadcast %shift_left3A_389 : i32 to vector<16xi32>
      %shift_left3A_391 = arith.shli %get3A_388, %shift_left3A_390 : vector<16xi32>
      %get3A_392 = arith.index_cast %scan3A_201 : i32 to index
      %get3A_393 = arith.constant 496 : index
      %get3A_394 = tpu.vector_load %arg6[%get3A_392, %get3A_393] {strides = array<i32>} : memref<64x512xi32, #tpu.memory_space<vmem>>, vector<16xi32>,
      %shift_left3A_395 = arith.constant 31 : i32
      %shift_left3A_396 = vector.broadcast %shift_left3A_395 : i32 to vector<16xi32>
      %shift_left3A_397 = arith.shli %get3A_394, %shift_left3A_396 : vector<16xi32>
      %or3A = arith.ori %shift_left3A_211, %shift_left3A_217 : vector<16xi32>
      %or3A_398 = arith.ori %shift_left3A_223, %shift_left3A_229 : vector<16xi32>
      %or3A_399 = arith.ori %shift_left3A_235, %shift_left3A_241 : vector<16xi32>
      %or3A_400 = arith.ori %shift_left3A_247, %shift_left3A_253 : vector<16xi32>
      %or3A_401 = arith.ori %shift_left3A_259, %shift_left3A_265 : vector<16xi32>
      %or3A_402 = arith.ori %shift_left3A_271, %shift_left3A_277 : vector<16xi32>
      %or3A_403 = arith.ori %shift_left3A_283, %shift_left3A_289 : vector<16xi32>
      %or3A_404 = arith.ori %shift_left3A_295, %shift_left3A_301 : vector<16xi32>
      %or3A_405 = arith.ori %shift_left3A_307, %shift_left3A_313 : vector<16xi32>
      %or3A_406 = arith.ori %shift_left3A_319, %shift_left3A_325 : vector<16xi32>
      %or3A_407 = arith.ori %shift_left3A_331, %shift_left3A_337 : vector<16xi32>
      %or3A_408 = arith.ori %shift_left3A_343, %shift_left3A_349 : vector<16xi32>
      %or3A_409 = arith.ori %shift_left3A_355, %shift_left3A_361 : vector<16xi32>
      %or3A_410 = arith.ori %shift_left3A_367, %shift_left3A_373 : vector<16xi32>
      %or3A_411 = arith.ori %shift_left3A_379, %shift_left3A_385 : vector<16xi32>
      %or3A_412 = arith.ori %shift_left3A_391, %shift_left3A_397 : vector<16xi32>
      %or3A_413 = arith.ori %or3A, %or3A_398 : vector<16xi32>
      %or3A_414 = arith.ori %or3A_399, %or3A_400 : vector<16xi32>
      %or3A_415 = arith.ori %or3A_401, %or3A_402 : vector<16xi32>
      %or3A_416 = arith.ori %or3A_403, %or3A_404 : vector<16xi32>
      %or3A_417 = arith.ori %or3A_405, %or3A_406 : vector<16xi32>
      %or3A_418 = arith.ori %or3A_407, %or3A_408 : vector<16xi32>
      %or3A_419 = arith.ori %or3A_409, %or3A_410 : vector<16xi32>
      %or3A_420 = arith.ori %or3A_411, %or3A_412 : vector<16xi32>
      %or3A_421 = arith.ori %or3A_413, %or3A_414 : vector<16xi32>
      %or3A_422 = arith.ori %or3A_415, %or3A_416 : vector<16xi32>
      %or3A_423 = arith.ori %or3A_417, %or3A_418 : vector<16xi32>
      %or3A_424 = arith.ori %or3A_419, %or3A_420 : vector<16xi32>
      %or3A_425 = arith.ori %or3A_421, %or3A_422 : vector<16xi32>
      %or3A_426 = arith.ori %or3A_423, %or3A_424 : vector<16xi32>
      %or3A_427 = arith.ori %or3A_425, %or3A_426 : vector<16xi32>
      %not3A = arith.constant dense<-1> : vector<16xi32>
      %not3A_428 = arith.xori %or3A_427, %not3A : vector<16xi32>
      %not3A_429 = arith.constant dense<-1> : vector<16xi32>
      %not3A_430 = arith.xori %scan3A_202, %not3A_429 : vector<16xi32>
      %and3A = arith.andi %not3A_430, %select_n3A_78 : vector<16xi32>
      %and3A_431 = arith.andi %scan3A_202, %select_n3A_96 : vector<16xi32>
      %or3A_432 = arith.ori %and3A, %and3A_431 : vector<16xi32>
      %and3A_433 = arith.andi %not3A_428, %or3A_432 : vector<16xi32>
      %and3A_434 = arith.andi %not3A_430, %select_n3A_114 : vector<16xi32>
      %and3A_435 = arith.andi %scan3A_202, %select_n3A_132 : vector<16xi32>
      %or3A_436 = arith.ori %and3A_434, %and3A_435 : vector<16xi32>
      %and3A_437 = arith.andi %or3A_427, %or3A_436 : vector<16xi32>
      %or3A_438 = arith.ori %and3A_433, %and3A_437 : vector<16xi32>
      %not3A_439 = arith.constant dense<-1> : vector<16xi32>
      %not3A_440 = arith.xori %or3A_438, %not3A_439 : vector<16xi32>
      %and3A_441 = arith.andi %not3A_428, %not3A_440 : vector<16xi32>
      %or3A_442 = arith.ori %scan3A_203, %and3A_441 : vector<16xi32>
      %and3A_443 = arith.andi %not3A_428, %or3A_438 : vector<16xi32>
      %or3A_444 = arith.ori %scan3A_204, %and3A_443 : vector<16xi32>
      %and3A_445 = arith.andi %or3A_427, %not3A_440 : vector<16xi32>
      %or3A_446 = arith.ori %scan3A_205, %and3A_445 : vector<16xi32>
      %and3A_447 = arith.andi %or3A_427, %or3A_438 : vector<16xi32>
      %or3A_448 = arith.ori %scan3A_206, %and3A_447 : vector<16xi32>
      scf.yield %or3A_438, %or3A_442, %or3A_444, %or3A_446, %or3A_448 : vector<16xi32>, vector<16xi32>, vector<16xi32>, vector<16xi32>, vector<16xi32>
    }
    %scan3A_194 = arith.constant 16 : i32
    %scan3A_195 = arith.constant 0 : i32
    %scan3A_196 = arith.constant 0 : i32
    %scan3A_197 = arith.constant 32 : i32
    %scan3A_198 = arith.addi %scan3A_196, %scan3A_197 : i32
    %scan3A_199 = arith.constant 1 : i32
    scf.for %scan3A_201 = %scan3A_196 to %scan3A_198 step %scan3A_199  : i32 {
      %shift_right_arithmetic3A = vector.broadcast %scan3A_201 : i32 to vector<16xi32>
      %shift_right_arithmetic3A_202 = arith.shrsi %scan3A_193#1, %shift_right_arithmetic3A : vector<16xi32>
      %and3A = arith.andi %shift_right_arithmetic3A_202, %broadcast_in_dim3A_44 : vector<16xi32>
      %eq3A = arith.cmpi eq, %and3A, %broadcast_in_dim3A_44 : vector<16xi32>
      %select_n3A_203 = arith.select %eq3A, %div3A_76, %broadcast_in_dim3A_42 : vector<16xi1>, vector<16xf32>
      %min3A = arith.minimumf %div3A, %select_n3A_203 : vector<16xf32>
      %shift_right_arithmetic3A_204 = vector.broadcast %scan3A_201 : i32 to vector<16xi32>
      %shift_right_arithmetic3A_205 = arith.shrsi %scan3A_193#2, %shift_right_arithmetic3A_204 : vector<16xi32>
      %and3A_206 = arith.andi %shift_right_arithmetic3A_205, %broadcast_in_dim3A_44 : vector<16xi32>
      %eq3A_207 = arith.cmpi eq, %and3A_206, %broadcast_in_dim3A_44 : vector<16xi32>
      %select_n3A_208 = arith.select %eq3A_207, %div3A_94, %broadcast_in_dim3A_42 : vector<16xi1>, vector<16xf32>
      %min3A_209 = arith.minimumf %min3A, %select_n3A_208 : vector<16xf32>
      %shift_right_arithmetic3A_210 = vector.broadcast %scan3A_201 : i32 to vector<16xi32>
      %shift_right_arithmetic3A_211 = arith.shrsi %scan3A_193#3, %shift_right_arithmetic3A_210 : vector<16xi32>
      %and3A_212 = arith.andi %shift_right_arithmetic3A_211, %broadcast_in_dim3A_44 : vector<16xi32>
      %eq3A_213 = arith.cmpi eq, %and3A_212, %broadcast_in_dim3A_44 : vector<16xi32>
      %select_n3A_214 = arith.select %eq3A_213, %div3A_112, %broadcast_in_dim3A_42 : vector<16xi1>, vector<16xf32>
      %min3A_215 = arith.minimumf %min3A_209, %select_n3A_214 : vector<16xf32>
      %shift_right_arithmetic3A_216 = vector.broadcast %scan3A_201 : i32 to vector<16xi32>
      %shift_right_arithmetic3A_217 = arith.shrsi %scan3A_193#4, %shift_right_arithmetic3A_216 : vector<16xi32>
      %and3A_218 = arith.andi %shift_right_arithmetic3A_217, %broadcast_in_dim3A_44 : vector<16xi32>
      %eq3A_219 = arith.cmpi eq, %and3A_218, %broadcast_in_dim3A_44 : vector<16xi32>
      %select_n3A_220 = arith.select %eq3A_219, %div3A_130, %broadcast_in_dim3A_42 : vector<16xi1>, vector<16xf32>
      %min3A_221 = arith.minimumf %min3A_215, %select_n3A_220 : vector<16xf32>
      %mul3A_222 = arith.constant 16 : i32
      %mul3A_223 = arith.muli %mul3A_222, %scan3A_201 : i32
      %swap3A = arith.index_cast %mul3A_223 : i32 to index
      %swap3A_224 = tpu.vector_load %arg8[%swap3A] {strides = array<i32>} : memref<512xf32, #tpu.memory_space<vmem>>, vector<16xf32>,
      tpu.vector_store %arg8[%swap3A], %min3A_221 {strides = array<i32>} : memref<512xf32, #tpu.memory_space<vmem>>, vector<16xf32>,
      %shift_right_arithmetic3A_225 = vector.broadcast %scan3A_201 : i32 to vector<16xi32>
      %shift_right_arithmetic3A_226 = arith.shrsi %scan3A_193#0, %shift_right_arithmetic3A_225 : vector<16xi32>
      %and3A_227 = arith.andi %shift_right_arithmetic3A_226, %broadcast_in_dim3A_44 : vector<16xi32>
      %mul3A_228 = arith.constant 16 : i32
      %mul3A_229 = arith.muli %mul3A_228, %scan3A_201 : i32
      %swap3A_230 = arith.index_cast %mul3A_229 : i32 to index
      %swap3A_231 = tpu.vector_load %arg9[%swap3A_230] {strides = array<i32>} : memref<512xi32, #tpu.memory_space<vmem>>, vector<16xi32>,
      tpu.vector_store %arg9[%swap3A_230], %and3A_227 {strides = array<i32>} : memref<512xi32, #tpu.memory_space<vmem>>, vector<16xi32>,
    }
    %scan3A_200 = arith.constant 32 : i32
    "tpu.region"() ({
      %run_scoped3A = tpu.sem_alloc : memref<!tpu.dma_semaphore, #tpu.memory_space<semaphore_mem>>
      %dma_start3A_201 = tpu.memref_slice %arg4[%mul3A_2] : memref<16384xf32, #tpu.memory_space<hbm>> -> memref<512xf32, #tpu.memory_space<hbm>>
      %dma_start3A_202 = tpu.memref_slice %arg4[%mul3A_2] : memref<16384xf32, #tpu.memory_space<hbm>> -> memref<512xf32, #tpu.memory_space<hbm>>
      tpu.enqueue_dma source(%arg8 : memref<512xf32, #tpu.memory_space<vmem>>) target(%dma_start3A_202 : memref<512xf32, #tpu.memory_space<hbm>>) target_semaphore(%run_scoped3A : memref<!tpu.dma_semaphore, #tpu.memory_space<semaphore_mem>>)
      %dma_wait3A_203 = tpu.memref_slice %arg4[%mul3A_2] : memref<16384xf32, #tpu.memory_space<hbm>> -> memref<512xf32, #tpu.memory_space<hbm>>
      %dma_wait3A_204 = tpu.memref_slice %arg4[%mul3A_2] : memref<16384xf32, #tpu.memory_space<hbm>> -> memref<512xf32, #tpu.memory_space<hbm>>
      tpu.wait_dma2 semaphore(%run_scoped3A : memref<!tpu.dma_semaphore, #tpu.memory_space<semaphore_mem>>) src(%arg8 : memref<512xf32, #tpu.memory_space<vmem>>) dst(%dma_wait3A_204 : memref<512xf32, #tpu.memory_space<hbm>>)
      tpu.yield
    }) : () -> ()
    "tpu.region"() ({
      %run_scoped3A = tpu.sem_alloc : memref<!tpu.dma_semaphore, #tpu.memory_space<semaphore_mem>>
      %dma_start3A_201 = tpu.memref_slice %arg5[%mul3A_2] : memref<16384xi32, #tpu.memory_space<hbm>> -> memref<512xi32, #tpu.memory_space<hbm>>
      %dma_start3A_202 = tpu.memref_slice %arg5[%mul3A_2] : memref<16384xi32, #tpu.memory_space<hbm>> -> memref<512xi32, #tpu.memory_space<hbm>>
      tpu.enqueue_dma source(%arg9 : memref<512xi32, #tpu.memory_space<vmem>>) target(%dma_start3A_202 : memref<512xi32, #tpu.memory_space<hbm>>) target_semaphore(%run_scoped3A : memref<!tpu.dma_semaphore, #tpu.memory_space<semaphore_mem>>)
      %dma_wait3A_203 = tpu.memref_slice %arg5[%mul3A_2] : memref<16384xi32, #tpu.memory_space<hbm>> -> memref<512xi32, #tpu.memory_space<hbm>>
      %dma_wait3A_204 = tpu.memref_slice %arg5[%mul3A_2] : memref<16384xi32, #tpu.memory_space<hbm>> -> memref<512xi32, #tpu.memory_space<hbm>>
      tpu.wait_dma2 semaphore(%run_scoped3A : memref<!tpu.dma_semaphore, #tpu.memory_space<semaphore_mem>>) src(%arg9 : memref<512xi32, #tpu.memory_space<vmem>>) dst(%dma_wait3A_204 : memref<512xi32, #tpu.memory_space<hbm>>)
      tpu.yield
    }) : () -> ()
    return
  }
}

</mosaic_0001>

<sc_bundles>
// kernel: kernel.3.cloned.1.call-start
scs
__scs_entry_jumppad:
0x0: {  	(pc) =	sbr.rel $0x88, $3  }
0x1: {  	(tag) =	ssettag $0x0;
	lr =	simm.s32 $0x1  }
0x2: {  	[smem:$0x3F9E] =	sst lr;
	_ =	strace $0xD0000000  }
0x3: {  	_ = 	snop  }
0x4: {  	_ = 	snop  }
0x5: {  	_ = 	snop  }
0x6: {  	_ = 	snop  }
0x7: {  	_ = 	snop  }
__scs_overlays_trampoline_lowered:
0x8: {  	[smem:$0x3FAD] =	sst s0  }
0x9: {  	[smem:$0x3FAE] =	sst s1  }
0xa: {  	[smem:$0x3FAF] =	sst s2  }
0xb: {  	[smem:$0x3FB0] =	sst s3  }
0xc: {  	[smem:$0x3FB1] =	sst s4  }
0xd: {  	[smem:$0x3FB2] =	sst s5  }
0xe: {  	[smem:$0x3FB3] =	sst s6  }
0xf: {  	[smem:$0x3FB4] =	sst s7  }
0x10: {  	[smem:$0x3FB5] =	sst s8  }
0x11: {  	[smem:$0x3FB6] =	sst s9;
	s0 =	simm.s32 @!p0 $0x0  }
0x12: {  	s1 =	sld [smem:$0x3F9C];
	s0 =	simm.s32 @p0 $0x1  }
0x13: {  	[smem:$0x3FB7] =	sst s0;
	s0 =	simm.s32 @!p1 $0x0  }
0x14: {  	s2 =	sld [smem:$0x3F9B];
	s0 =	simm.s32 @p1 $0x1  }
0x15: {  	[smem:$0x3FB8] =	sst s0;
	s0 =	simm.s32 @!p2 $0x0  }
0x16: {  	s3 =	sld [smem:$0x3FDB];
	s0 =	simm.s32 @p2 $0x1  }
0x17: {  	s4 =	simm.s32 $0x1BF5;
	[smem:$0x3FBA] =	sst s0  }
0x18: {  	s0 =	sld [smem:$0x3F9D];
	_ =	swait.ge [sflag:s4], $0x0  }
0x19: {  	s7 =	sld [smem:$0x3F9E]  }
0x1a: {  	s8 =	sadd.s32 $0xFFFFE003, lr  }
0x1b: {  	s9 =	sadd.s32 $0xFFFFFEF7, lr;
	s5 =	simm.s32 $0xFFFFFFFF;
	p2 =	slt.u32 s8, $0xFFFFF086  }
0x1c: {  	p1 =	slt.u32 s9, $0xF7A;
	s5 =	simm.s32 @!p2 $0x0  }
0x1d: {  	s5 =	simm.s32 @p1 $0x1;
	p0 =	seq.s32 s7, s2  }
0x1e: {  	s7 =	smul.u32 @!p0 $0xF7A, s2;
	p2 =	seq.s32 @!p0 s5, $0x0  }
0x1f: {  	s9 =	smul.u32 $0xF7A, s1;
	s8 =	simm.s32 @!p0 $0x1BF5;
	p2 =	por !p2, p0  }
0x20: {  	[sflag:s8] =	ssyncset.s32 @!p0 $0xFFFFF086;
	s6 =	sadd.s32 @!p0 s3, s7;
	s7 =	simm.s32 @!p0 $0x108  }
0x21: {  	s3 =	sadd.s32 s3, s9;
	s6 =	sadd.s32 @!p0 $0x88, s6;
	s7 =	simm.s32 @p2 $0x1082  }
0x22: {  	[simem:s7], [sflag:s8] =	dma.local @!p0 [hbm:s6], $0xF7A  }
0x23: {  	s9 =	sor.u32 $0xD0000000, s2;
	s6 =	simm.s32 $0x108;
	_ =	swait.ge @!p0 [sflag:s8], $0x0  }
0x24: {  	s3 =	sadd.s32 $0x88, s3;
	s6 =	simm.s32 @!p1 $0x1082;
	[sflag:s4] =	ssyncset.s32 $0xFFFFF086  }
0x25: {  	[simem:s6], [sflag:s4] =	dma.local [hbm:s3], $0xF7A  }
0x26: {  	[smem:$0x3F9E] =	sst s1;
	(tag) =	ssettag s2;
	_ =	strace s9  }
0x27: {  	s1 =	sld [smem:$0x3FAE]  }
0x28: {  	s2 =	sld [smem:$0x3FAF]  }
0x29: {  	s4 =	sld [smem:$0x3FB1]  }
0x2a: {  	p0 =	seq.s32 s5, $0x0;
	s5 =	sld [smem:$0x3FB2]  }
0x2b: {  	s6 =	sld [smem:$0x3FB3]  }
0x2c: {  	s7 =	sld [smem:$0x3FB4]  }
0x2d: {  	s3 =	simm.s32 $0x108;
	s8 =	sld [smem:$0x3FB5]  }
0x2e: {  	s3 =	simm.s32 @!p0 $0x1082;
	s9 =	sld [smem:$0x3FB6]  }
0x2f: {  	lr =	sadd.s32 s0, s3;
	s0 =	sld [smem:$0x3FAD]  }
0x30: {  	s3 =	sld [smem:$0x3FB0]  }
0x31: {  	[smem:$0x3FB9] =	sst s10  }
0x32: {  	s10 =	sld [smem:$0x3FB7];
	_ =	sdelay $0x3  }
0x33: {  	p0 =	seq.s32 s10, $0x1;
	s10 =	sld [smem:$0x3FB9];
	_ =	sdelay $0x3  }
0x34: {  	[smem:$0x3FB9] =	sst s10  }
0x35: {  	s10 =	sld [smem:$0x3FB8];
	_ =	sdelay $0x3  }
0x36: {  	p1 =	seq.s32 s10, $0x1;
	s10 =	sld [smem:$0x3FB9];
	_ =	sdelay $0x3  }
0x37: {  	[smem:$0x3FB9] =	sst s10  }
0x38: {  	s10 =	sld [smem:$0x3FBA]  }
0x39: {  	_ = 	snop;
	(pc) =	sbr.ind lr, $3  }
0x3a: {  	_ = 	snop  }
0x3b: {  	_ = 	snop  }
0x3c: {  	p2 =	seq.s32 s10, $0x1;
	s10 =	sld [smem:$0x3FB9]  }
0x3d: {  	_ =	shalt  }
0x3e: {  	_ =	shalt  }
0x3f: {  	_ =	shalt  }
0x40: {  	_ =	shalt  }
0x41: {  	_ =	shalt  }
0x42: {  	_ =	shalt  }
0x43: {  	_ =	shalt  }
0x44: {  	_ =	shalt  }
0x45: {  	_ =	shalt  }
0x46: {  	_ =	shalt  }
0x47: {  	_ =	shalt  }
0x48: {  	_ =	shalt  }
0x49: {  	_ =	shalt  }
0x4a: {  	_ =	shalt  }
0x4b: {  	_ =	shalt  }
0x4c: {  	_ =	shalt  }
0x4d: {  	_ =	shalt  }
0x4e: {  	_ =	shalt  }
0x4f: {  	_ =	shalt  }
0x50: {  	_ =	shalt  }
0x51: {  	_ =	shalt  }
0x52: {  	_ =	shalt  }
0x53: {  	_ =	shalt  }
0x54: {  	_ =	shalt  }
0x55: {  	_ =	shalt  }
0x56: {  	_ =	shalt  }
0x57: {  	_ =	shalt  }
0x58: {  	_ =	shalt  }
0x59: {  	_ =	shalt  }
0x5a: {  	_ =	shalt  }
0x5b: {  	_ =	shalt  }
0x5c: {  	_ =	shalt  }
0x5d: {  	_ =	shalt  }
0x5e: {  	_ =	shalt  }
0x5f: {  	_ =	shalt  }
0x60: {  	_ =	shalt  }
0x61: {  	_ =	shalt  }
0x62: {  	_ =	shalt  }
0x63: {  	_ =	shalt  }
0x64: {  	_ =	shalt  }
0x65: {  	_ =	shalt  }
0x66: {  	_ =	shalt  }
0x67: {  	_ =	shalt  }
0x68: {  	_ =	shalt  }
0x69: {  	_ =	shalt  }
0x6a: {  	_ =	shalt  }
0x6b: {  	_ =	shalt  }
0x6c: {  	_ =	shalt  }
0x6d: {  	_ =	shalt  }
0x6e: {  	_ =	shalt  }
0x6f: {  	_ =	shalt  }
0x70: {  	_ =	shalt  }
0x71: {  	_ =	shalt  }
0x72: {  	_ =	shalt  }
0x73: {  	_ =	shalt  }
0x74: {  	_ =	shalt  }
0x75: {  	_ =	shalt  }
0x76: {  	_ =	shalt  }
0x77: {  	_ =	shalt  }
0x78: {  	_ =	shalt  }
0x79: {  	_ =	shalt  }
0x7a: {  	_ =	shalt  }
0x7b: {  	_ =	shalt  }
0x7c: {  	_ =	shalt  }
0x7d: {  	_ =	shalt  }
0x7e: {  	_ =	shalt  }
0x7f: {  	_ =	shalt  }
0x80: {  	_ =	shalt  }
0x81: {  	_ =	shalt  }
0x82: {  	_ =	shalt  }
0x83: {  	_ =	shalt  }
0x84: {  	_ =	shalt  }
0x85: {  	_ =	shalt  }
0x86: {  	_ =	shalt  }
0x87: {  	_ =	shalt  }
.Lfunc_end0:
.L_simem_size_0:
called_computation_lowered:
.L_overlay_start_0:
0x88: {  	s2 =	sld [smem:$0x3FD9]  }
0x89: {  	s3 =	sld [smem:$0x3FFE];
	_ =	sdelay $0x1  }
0x8a: {  	s1 =	srdreg.scid  }
0x8b: {  	s0 =	sand.u32 $0x1, s1  }
0x8c: {  	s14 =	sshll.u32 s0, $0xA;
	s2 =	sadd.s32 s3, s2  }
0x8d: {  	s2 =	sadd.s32 s2, s14  }
0x8e: {  	[smem:$0x3FC5] =	sst s2  }
0x8f: {  	_ = 	snop  }
0x90: {  	s2 =	sld [smem:$0x3FD0];
	_ =	sdelay $0x2  }
0x91: {  	s4 =	simm.s32 $0xA;
	s5 =	simm.s32 $0x10;
	s15 =	sld [smem:$0x3FC9]  }
0x92: {  	[smem:s5], [sflag:s4] =	dma.local [hbm:s2], $0x1  }
0x93: {  	_ =	swait.eq [sflag:s4], $0x1  }
0x94: {  	[sflag:s4] =	ssyncset.done $0x0  }
0x95: {  	s16 =	sld [smem:$0x10];
	[sflag:s4] =	ssyncadd.s32 $0xFFFFFFFF  }
0x96: {  	s17 =	sld [smem:$0x11];
	(tm) =	ssettm $0x1  }
0x97: {  	s18 =	sld [smem:$0x3FFB];
	_ =	sdelay $0x3  }
0x98: {  	_ =	strace s18  }
0x99: {  	s5 =	sld [smem:$0x3FFC];
	_ =	sdelay $0x3  }
0x9a: {  	_ =	strace s5  }
0x9b: {  	s5 =	sld [smem:$0x3FFD];
	_ =	sdelay $0x3  }
0x9c: {  	_ =	strace s5  }
0x9d: {  	_ =	strace $0x8FFFFFFF  }
0x9e: {  	s19 =	sld [smem:$0x3FDB];
	_ =	sdelay $0x1  }
0x9f: {  	s6 =	simm.s32 $_scs_section_size  }
0xa0: {  	s7 =	simm.s32 $_size__tile_overlayer_lowered;
	s8 =	simm.s32 $_tile_overlayer_lowered  }
0xa1: {  	s22 =	simm.s32 $0x1BFF;
	s21 =	sshll.u32 s8, $0x1;
	s5 =	sadd.s32 s6, s19  }
0xa2: {  	s9 =	simm.s32 $0x0;
	s20 =	sshll.u32 s7, $0x1;
	s7 =	sadd.s32 s21, s5  }
0xa3: {  	[timem:s9], [sflag:s22] =	dma.local [hbm:s7], s20  }
0xa4: {  	_ =	swait.ge [sflag:s22], s20  }
0xa5: {  	s6 =	ssub.s32 $0x0, s20;
	[sflag:s22] =	ssyncset.done $0x0  }
0xa6: {  	[sflag:s22] =	ssyncadd.s32 s6;
	_ =	sdelay $0x1  }
0xa7: {  	s23 =	simm.s32 $0x1B8B  }
0xa8: {  	_ =	swait.ge [sflag:s23], $0x1  }
0xa9: {  	[sflag:s23] =	ssyncset.done $0x0  }
0xaa: {  	s25 =	simm.s32 $0x1B8E;
	s24 =	sld [smem:$0x3FFE];
	[sflag:s23] =	ssyncadd.s32 $0xFFFFFFFF  }
0xab: {  	s26 =	simm.s32 $execute0_lowered;
	[smem:$0x3FD2] =	sst s25  }
0xac: {  	s7 =	sshll.u32 s26, $0x1;
	_ =	strace $0x80000046;
	[dreg:$0x1] =	wrdreg $0xFFFFFFFF  }
0xad: {  	s28 =	simm.s32 $_size_execute0_lowered;
	s5 =	sadd.s32 s5, s7;
	[dreg:$0x0] =	wrdreg $0x0  }
0xae: {  	s7 =	sshll.u32 s28, $0x1;
	[dreg:$0x2] =	wrdreg s5  }
0xaf: {  	[dreg:$0x3] =	wrdreg s7  }
0xb0: {  	[dreg:$0x4] =	wrdreg $0xC0  }
0xb1: {  	_ =	task [dreg:s9], $0x5FFFF  }
0xb2: {  	[dreg:$0x1] =	wrdreg $0xFFFFFFFF  }
0xb3: {  	[dreg:$0x0] =	wrdreg $0x60  }
0xb4: {  	[dreg:$0x2] =	wrdreg s15  }
0xb5: {  	[dreg:$0x3] =	wrdreg s24  }
0xb6: {  	[dreg:$0x4] =	wrdreg s16  }
0xb7: {  	[dreg:$0x5] =	wrdreg s17  }
0xb8: {  	[dreg:$0x6] =	wrdreg $0x9  }
0xb9: {  	_ =	task.clear_ibuf [dreg:s9], $0x7FFFF;
	_ =	strace $0x90000046  }
0xba: {  	s29 =	simm.s32 $0x9;
	_ =	strace $0x80000048  }
0xbb: {  	_ =	swait.ge [sflag:s29], $0x1  }
0xbc: {  	[sflag:s29] =	ssyncadd.s32 $0xFFFFFFFF  }
0xbd: {  	_ =	strace $0x90000048  }
0xbe: {  	_ =	sfence  }
0xbf: {  	s30 =	sld [smem:$0x0];
	_ =	sdelay $0x2  }
0xc0: {  	s31 =	sshll.u32 s1, $0xD;
	s1 =	sshrl.u32 s1, $0x2  }
0xc1: {  	s3 =	sand.u32 $0x4000, s31;
	s1 =	sadd.s32 s1, s30  }
0xc2: {  	s0 =	sor.u32 s3, s0;
	s1 =	sshll.u32 s1, $0x11  }
0xc3: {  	s0 =	sor.u32 s1, s0  }
0xc4: {  	s0 =	sadd.s32 $0x8F2B, s0  }
0xc5: {  	[sflag:s0] =	ssyncadd.remote.s32 $0x1  }
0xc6: {  	_ =	sfence.sel $0xFFFF  }
0xc7: {  	[dreg:$0x0] =	wrdreg $0xFFFFFFFF;
	(pc) =	sbr.abs _section_cstart, $3  }
0xc8: {  	[dreg:$0x1] =	wrdreg $0xFFFFFFFF  }
0xc9: {  	_ =	task.clear_ibuf [dreg:s9], $0x2FFFF;
	_ =	strace $0x9FFFFFFF  }
0xca: {  	(tm) =	ssettm $0x7FFFFFFF  }
0xcb: {  	_ =	shalt  }
tec
execute0_lowered:
.L_overlay_start_1:
0x0: {  	(tag) =	ssettag $0x1  }
0x1: {  	s4 =	rddreg [dreg:$0x0]  }
0x2: {  	s3 =	rddreg [dreg:$0x1]  }
0x3: {  	s8 =	rddreg [dreg:$0x2]  }
0x4: {  	s9 =	rddreg [dreg:$0x3]  }
0x5: {  	s0 =	rddreg [dreg:$0x4];
	s2 =	simm.s32 $0x0;
	s5 =	srdreg.scid  }
0x6: {  	s1 =	stileid.u32;
	s12 =	simm.s32 $0x20000;
	s13 =	simm.s32 $0x2000  }
0x7: {  	s14 =	simm.s32 $0x4000;
	s15 =	simm.s32 $0x6000;
	s16 =	simm.s32 $0x8000  }
0x8: {  	s17 =	simm.s32 $0x5;
	s18 =	simm.s32 $0x1;
	s19 =	simm.s32 $0x2  }
0x9: {  	s20 =	simm.s32 $0x3;
	s21 =	simm.s32 $0x4;
	s22 =	simm.s32 $0x8800  }
0xa: {  	s23 =	simm.s32 $0x8A00;
	s24 =	simm.s32 $0x0;
	s5 =	sand.u32 $0x1, s5  }
0xb: {  	s7 =	sshll.u32 s1, $0xA;
	s6 =	ssub.s32 $0x2, s5;
	s5 =	sshll.u32 s5, $0x9  }
0xc: {  	[smem:$0x7FF] =	sst s2;
	s3 =	sadd.s32 $0x800, s3;
	s7 =	sor.u32 s5, s7  }
0xd: {  	_ =	strace $0x80000047;
	s10 =	sshrl.u32 s6, $0x1;
	s4 =	sadd.s32 s4, s7  }
0xe: {  	s10 =	ssub.s32 s6, s10;
	s11 =	sshrl.u32 s7, $0x3;
	s5 =	sadd.s32 $0x8000, s4  }
0xf: {  	s6 =	sadd.s32 $0x10000, s4;
	s7 =	sadd.s32 $0x18000, s4;
	s8 =	sadd.s32 s8, s11  }
0x10: {  	v0 =	vimm.s32 $0x0;
	v1 =	vimm.s32 $0x1;
	s9 =	sadd.s32 s9, s11;
	s10 =	smax.u32 s10, $0x1;
	s11 =	simm.s32 $0x1000  }
.LBB2_1:
0x11: {  	[tilespmem:s2], [sflag:$0x1] =	stream.strided.gather [hbm4b:s4+s11], $0x2000, s12, s11, $0x38;
	[tilespmem:$0x8C00] =	vst v63  }
0x12: {  	_ = 	snop  }
0x13: {  	[tilespmem:s13], [sflag:$0x2] =	stream.strided.gather [hbm4b:s5+s11], $0x2000, s12, s11, $0x38;
	[tilespmem:$0x8C00] =	vst v63  }
0x14: {  	_ = 	snop  }
0x15: {  	[tilespmem:s14], [sflag:$0x3] =	stream.strided.gather [hbm4b:s6+s11], $0x2000, s12, s11, $0x38;
	[tilespmem:$0x8C00] =	vst v63  }
0x16: {  	_ = 	snop  }
0x17: {  	[tilespmem:s15], [sflag:$0x4] =	stream.strided.gather [hbm4b:s7+s11], $0x2000, s12, s11, $0x38;
	[tilespmem:$0x8C00] =	vst v63  }
0x18: {  	_ = 	snop  }
0x19: {  	[tilespmem:s16], [sflag:$0x5] =	stream.linear.gather [hbm4b:s3+s2], $0x500, $0x38;
	[tilespmem:$0x8C00] =	vst v63  }
0x1a: {  	_ =	swait.ge [sflag:s17], $0x500  }
0x1b: {  	[sflag:s17] =	ssyncset.done $0x0  }
0x1c: {  	[sflag:s17] =	ssyncadd.s32 $0xFFFFFB00  }
0x1d: {  	v10 =	vld [tilespmem:$0x8000]  }
0x1e: {  	v11 =	vld [tilespmem:$0x8080]  }
0x1f: {  	v8 =	vld [tilespmem:$0x8100]  }
0x20: {  	v9 =	vld [tilespmem:$0x8180]  }
0x21: {  	v6 =	vld [tilespmem:$0x8200]  }
0x22: {  	v7 =	vld [tilespmem:$0x8280]  }
0x23: {  	v4 =	vld [tilespmem:$0x8300]  }
0x24: {  	v5 =	vld [tilespmem:$0x8380]  }
0x25: {  	v2 =	vld [tilespmem:$0x8400]  }
0x26: {  	v3 =	vld [tilespmem:$0x8480];
	_ =	swait.ge [sflag:s18], $0x2000  }
0x27: {  	s25 =	sand.u32 $0x1000, s2;
	s26 =	sand.u32 $0x380, s2;
	[sflag:s18] =	ssyncset.done $0x0  }
0x28: {  	s28 =	sor.u32 s26, s25;
	[sflag:s18] =	ssyncadd.s32 $0xFFFFE000  }
0x29: {  	v14 =	vld [tilespmem:s28+$0x20]  }
0x2a: {  	v15 =	vld [tilespmem:s28+$0x10]  }
0x2b: {  	v13 =	vld [tilespmem:s28+$0xC70]  }
0x2c: {  	v12 =	vld [tilespmem:s28+$0xC60]  }
0x2d: {  	v16 =	vld [tilespmem:s28+$0x0]  }
0x2e: {  	v17 =	vld [tilespmem:s28+$0x30]  }
0x2f: {  	v18 =	vld [tilespmem:s28+$0x40]  }
0x30: {  	v19 =	vld [tilespmem:s28+$0x50]  }
0x31: {  	v20 =	vld [tilespmem:s28+$0x60]  }
0x32: {  	v21 =	vld [tilespmem:s28+$0x70];
	v15 =	vshll.u32 v15, $0x1  }
0x33: {  	v14 =	vshll.u32 v14, $0x2;
	v15 =	vor.u32 v16, v15;
	v16 =	vshll.u32 v17, $0x3;
	v17 =	vld [tilespmem:s28+$0x400]  }
0x34: {  	v14 =	vor.u32 v14, v15;
	v15 =	vshll.u32 v18, $0x4;
	v18 =	vld [tilespmem:s28+$0x410]  }
0x35: {  	v14 =	vor.u32 v16, v14;
	v16 =	vshll.u32 v19, $0x5;
	v19 =	vld [tilespmem:s28+$0x420]  }
0x36: {  	v14 =	vor.u32 v15, v14;
	v15 =	vshll.u32 v20, $0x6;
	v20 =	vld [tilespmem:s28+$0x430]  }
0x37: {  	v14 =	vor.u32 v16, v14;
	v16 =	vshll.u32 v21, $0x7;
	v21 =	vld [tilespmem:s28+$0x440]  }
0x38: {  	v14 =	vor.u32 v15, v14;
	v15 =	vshll.u32 v17, $0x8;
	v17 =	vld [tilespmem:s28+$0x450]  }
0x39: {  	v14 =	vor.u32 v16, v14;
	v16 =	vshll.u32 v18, $0x9;
	v18 =	vld [tilespmem:s28+$0x460]  }
0x3a: {  	v14 =	vor.u32 v15, v14;
	v15 =	vshll.u32 v19, $0xA;
	v19 =	vld [tilespmem:s28+$0x470]  }
0x3b: {  	v14 =	vor.u32 v16, v14;
	v16 =	vshll.u32 v20, $0xB;
	v20 =	vld [tilespmem:s28+$0x800]  }
0x3c: {  	v14 =	vor.u32 v15, v14;
	v15 =	vshll.u32 v21, $0xC;
	v21 =	vld [tilespmem:s28+$0x810]  }
0x3d: {  	v14 =	vor.u32 v16, v14;
	v16 =	vshll.u32 v17, $0xD;
	v17 =	vld [tilespmem:s28+$0x820]  }
0x3e: {  	v14 =	vor.u32 v15, v14;
	v15 =	vshll.u32 v18, $0xE;
	v18 =	vld [tilespmem:s28+$0x830]  }
0x3f: {  	v14 =	vor.u32 v16, v14;
	v16 =	vshll.u32 v19, $0xF;
	v19 =	vld [tilespmem:s28+$0x840]  }
0x40: {  	v14 =	vor.u32 v15, v14;
	v15 =	vshll.u32 v20, $0x10;
	v20 =	vld [tilespmem:s28+$0x850]  }
0x41: {  	v22 =	vld [tilespmem:s28+$0xC00];
	v14 =	vor.u32 v16, v14  }
0x42: {  	vm0 =	vgt.f32 v11, v10;
	v16 =	vshll.u32 v21, $0x11;
	v21 =	vld [tilespmem:s28+$0x860];
	v14 =	vor.u32 v15, v14  }
0x43: {  	vm1 =	vgt.f32 v5, v4;
	v15 =	vshll.u32 v17, $0x12;
	v17 =	vld [tilespmem:s28+$0x870];
	v14 =	vor.u32 v16, v14  }
0x44: {  	v26 =	vld [tilespmem:s28+$0xC10];
	vm2 =	vgt.f32 v7, v6;
	v16 =	vshll.u32 v18, $0x13;
	v14 =	vor.u32 v15, v14  }
0x45: {  	s31 =	simm.s32 $0x200;
	s26 =	simm.s32 $0x80;
	v15 =	vshll.u32 v19, $0x14;
	v14 =	vor.u32 v16, v14;
	v16 =	vshll.u32 v20, $0x15;
	v20 =	vld [tilespmem:s28+$0xC20]  }
0x46: {  	s25 =	sand.u32 $0x1000, s31;
	s29 =	sand.u32 $0x380, s26;
	v24 =	vld [tilespmem:s28+$0xC30];
	vm3 =	vgt.f32 v9, v8;
	v18 =	vsel vm0, $0xFFFFFFFF, v0;
	v14 =	vor.u32 v15, v14  }
0x47: {  	s25 =	sor.u32 s29, s25;
	v23 =	vld [tilespmem:s28+$0xC40];
	vm0 =	vgt.f32 v3, v2;
	v15 =	vshll.u32 v21, $0x16;
	v14 =	vor.u32 v16, v14  }
0x48: {  	v25 =	vld [tilespmem:s25+$0x20];
	v16 =	vshll.u32 v17, $0x17;
	v17 =	vimm.s32 $0x0;
	v14 =	vor.u32 v15, v14  }
0x49: {  	v19 =	vld [tilespmem:s28+$0xC50];
	v15 =	vshll.u32 v22, $0x18;
	v14 =	vor.u32 v16, v14;
	v16 =	vshll.u32 v26, $0x19  }
0x4a: {  	v26 =	vld [tilespmem:s25+$0x10];
	v14 =	vor.u32 v15, v14;
	v27 =	vshll.u32 v20, $0x1A;
	v15 =	vimm.s32 $0x0  }
0x4b: {  	s28 =	simm.s32 $0x400;
	v20 =	vld [tilespmem:s25+$0xC70];
	v28 =	vor.u32 v16, v14;
	v14 =	vimm.s32 $0x0;
	v16 =	vimm.s32 $0x0  }
.LBB2_2:
0x4c: {  	p0 =	sne.s32 s28, $0x1E00;
	v21 =	vld [tilespmem:s25+$0xC60];
	v22 =	vshll.u32 v24, $0x1B;
	v24 =	vor.u32 v27, v28  }
0x4d: {  	v28 =	vshll.u32 v13, $0x1F;
	v27 =	vld [tilespmem:s25+$0xC50];
	v23 =	vshll.u32 v23, $0x1C;
	v13 =	vor.u32 v22, v24  }
0x4e: {  	v19 =	vshll.u32 v19, $0x1D;
	v12 =	vshll.u32 v12, $0x1E;
	v22 =	vld [tilespmem:s25+$0x0];
	v31 =	vor.u32 v23, v13  }
0x4f: {  	v24 =	vshll.u32 v25, $0x2;
	v23 =	vshll.u32 v26, $0x1;
	v25 =	vld [tilespmem:s25+$0x30];
	v30 =	vor.u32 v19, v31  }
0x50: {  	v32 =	vxor.u32 $0xFFFFFFFF, v18;
	v29 =	vnsel vm2, $0x0, v18;
	v26 =	vld [tilespmem:s25+$0x40];
	v33 =	vor.u32 v12, v30;
	v13 =	vmovc v20  }
0x51: {  	v18 =	vnsel vm0, $0x0, v18;
	v31 =	vnsel vm1, $0x0, v32;
	v30 =	vnsel vm3, $0x0, v32;
	v20 =	vld [tilespmem:s25+$0x50];
	v12 =	vmovc v21  }
0x52: {  	v18 =	vor.u32 v18, v31;
	v28 =	vor.u32 v28, v33;
	v29 =	vor.u32 v29, v30;
	v21 =	vld [tilespmem:s25+$0x60];
	v19 =	vmovc v27  }
0x53: {  	v27 =	vld [tilespmem:s25+$0x70];
	v22 =	vor.u32 v22, v23;
	v23 =	vandn.u32 v29, v28;
	v29 =	vand.u32 v18, v28  }
0x54: {  	v25 =	vshll.u32 v25, $0x3;
	v30 =	vld [tilespmem:s25+$0x400];
	v22 =	vor.u32 v24, v22;
	v18 =	vor.u32 v29, v23  }
0x55: {  	v24 =	vshll.u32 v26, $0x4;
	v26 =	vld [tilespmem:s25+$0x410];
	v22 =	vor.u32 v25, v22;
	v25 =	vxor.u32 $0xFFFFFFFF, v28  }
0x56: {  	v20 =	vshll.u32 v20, $0x5;
	v31 =	vld [tilespmem:s25+$0x420];
	v22 =	vor.u32 v24, v22;
	v24 =	vxor.u32 v25, v23  }
0x57: {  	v21 =	vshll.u32 v21, $0x6;
	v25 =	vld [tilespmem:s25+$0x430];
	v20 =	vor.u32 v20, v22;
	v22 =	vxor.u32 v28, v29  }
0x58: {  	v14 =	vor.u32 v14, v24;
	v27 =	vshll.u32 v27, $0x7;
	v28 =	vld [tilespmem:s25+$0x440];
	v20 =	vor.u32 v21, v20  }
0x59: {  	v17 =	vor.u32 v17, v22;
	v21 =	vshll.u32 v30, $0x8;
	v24 =	vld [tilespmem:s25+$0x450];
	v20 =	vor.u32 v27, v20  }
0x5a: {  	v16 =	vor.u32 v16, v23;
	v22 =	vshll.u32 v26, $0x9;
	v26 =	vld [tilespmem:s25+$0x460];
	v20 =	vor.u32 v21, v20  }
0x5b: {  	v15 =	vor.u32 v15, v29;
	v21 =	vshll.u32 v31, $0xA;
	v23 =	vld [tilespmem:s25+$0x470];
	v20 =	vor.u32 v22, v20  }
0x5c: {  	v22 =	vshll.u32 v25, $0xB;
	v25 =	vld [tilespmem:s25+$0x800];
	v20 =	vor.u32 v21, v20  }
0x5d: {  	v21 =	vshll.u32 v28, $0xC;
	v27 =	vld [tilespmem:s25+$0x810];
	v20 =	vor.u32 v22, v20  }
0x5e: {  	v22 =	vshll.u32 v24, $0xD;
	v24 =	vld [tilespmem:s25+$0x820];
	v20 =	vor.u32 v21, v20  }
0x5f: {  	v21 =	vshll.u32 v26, $0xE;
	v26 =	vld [tilespmem:s25+$0x830];
	v20 =	vor.u32 v22, v20  }
0x60: {  	v22 =	vshll.u32 v23, $0xF;
	v23 =	vld [tilespmem:s25+$0x840];
	v20 =	vor.u32 v21, v20  }
0x61: {  	v21 =	vshll.u32 v25, $0x10;
	v25 =	vld [tilespmem:s25+$0x850];
	v20 =	vor.u32 v22, v20  }
0x62: {  	v22 =	vshll.u32 v27, $0x11;
	v27 =	vld [tilespmem:s25+$0x860];
	v20 =	vor.u32 v21, v20  }
0x63: {  	v21 =	vshll.u32 v24, $0x12;
	v28 =	vld [tilespmem:s25+$0x870];
	v20 =	vor.u32 v22, v20  }
0x64: {  	v22 =	vshll.u32 v26, $0x13;
	v26 =	vld [tilespmem:s25+$0xC00];
	v20 =	vor.u32 v21, v20  }
0x65: {  	v21 =	vshll.u32 v23, $0x14;
	v29 =	vld [tilespmem:s25+$0xC10];
	v20 =	vor.u32 v22, v20  }
0x66: {  	s26 =	sadd.s32 $0x80, s26;
	v22 =	vshll.u32 v25, $0x15;
	v30 =	vld [tilespmem:s25+$0xC20];
	v20 =	vor.u32 v21, v20  }
.Ltmp0:
0x67: {  	s29 =	sand.u32 $0x1000, s28;
	s30 =	sand.u32 $0x380, s26;
	v21 =	vshll.u32 v27, $0x16;
	v24 =	vld [tilespmem:s25+$0xC30];
	v20 =	vor.u32 v22, v20;
	(pc) =	sbr.rel @p0 .LBB2_2-.Ltmp0, $4  }
0x68: {  	v22 =	vshll.u32 v28, $0x17;
	v23 =	vld [tilespmem:s25+$0xC40];
	s25 =	sor.u32 s30, s29;
	v20 =	vor.u32 v21, v20  }
0x69: {  	v25 =	vld [tilespmem:s25+$0x20];
	v21 =	vshll.u32 v26, $0x18;
	v20 =	vor.u32 v22, v20  }
0x6a: {  	v26 =	vld [tilespmem:s25+$0x10];
	v22 =	vshll.u32 v29, $0x19;
	v21 =	vor.u32 v21, v20  }
0x6b: {  	s28 =	sadd.s32 $0x200, s28;
	v20 =	vld [tilespmem:s25+$0xC70];
	v27 =	vshll.u32 v30, $0x1A;
	v28 =	vor.u32 v22, v21  }
0x6c: {  	v21 =	vld [tilespmem:s25+$0xC60]  }
0x6d: {  	v22 =	vld [tilespmem:s25+$0xC50]  }
0x6e: {  	v29 =	vld [tilespmem:s25+$0x0]  }
0x6f: {  	v30 =	vld [tilespmem:s25+$0x30]  }
0x70: {  	v31 =	vld [tilespmem:s25+$0x40]  }
0x71: {  	v32 =	vld [tilespmem:s25+$0x50]  }
0x72: {  	v33 =	vld [tilespmem:s25+$0x60]  }
0x73: {  	v34 =	vld [tilespmem:s25+$0x70]  }
0x74: {  	v35 =	vld [tilespmem:s25+$0x400]  }
0x75: {  	v36 =	vld [tilespmem:s25+$0x410]  }
0x76: {  	v37 =	vld [tilespmem:s25+$0x420]  }
0x77: {  	v38 =	vld [tilespmem:s25+$0x430]  }
0x78: {  	v39 =	vld [tilespmem:s25+$0x440];
	v27 =	vor.u32 v27, v28;
	v26 =	vshll.u32 v26, $0x1  }
0x79: {  	v40 =	vld [tilespmem:s25+$0x450];
	v24 =	vshll.u32 v24, $0x1B;
	v25 =	vshll.u32 v25, $0x2;
	v26 =	vor.u32 v29, v26  }
0x7a: {  	v13 =	vshll.u32 v13, $0x1F;
	v49 =	vld [tilespmem:s25+$0x840];
	v30 =	vshll.u32 v30, $0x3;
	v25 =	vor.u32 v25, v26  }
0x7b: {  	v19 =	vshll.u32 v19, $0x1D;
	v51 =	vld [tilespmem:s25+$0x850];
	v28 =	vshll.u32 v31, $0x4;
	v25 =	vor.u32 v30, v25  }
0x7c: {  	v12 =	vshll.u32 v12, $0x1E;
	v53 =	vld [tilespmem:s25+$0x860];
	v31 =	vshll.u32 v32, $0x5;
	v25 =	vor.u32 v28, v25  }
0x7d: {  	v54 =	vld [tilespmem:s25+$0x870];
	v24 =	vor.u32 v24, v27;
	v27 =	vshll.u32 v33, $0x6;
	v25 =	vor.u32 v31, v25  }
0x7e: {  	v55 =	vxor.u32 $0xFFFFFFFF, v18;
	v29 =	vld [tilespmem:s25+$0x460];
	v47 =	vshll.u32 v34, $0x7;
	v25 =	vor.u32 v27, v25  }
0x7f: {  	v56 =	vnsel vm2, $0x0, v18;
	v48 =	vshll.u32 v35, $0x8;
	v26 =	vld [tilespmem:s25+$0x470];
	v25 =	vor.u32 v47, v25  }
0x80: {  	v18 =	vnsel vm0, $0x0, v18;
	v50 =	vshll.u32 v36, $0x9;
	v30 =	vld [tilespmem:s25+$0x800];
	v25 =	vor.u32 v48, v25  }
0x81: {  	v23 =	vshll.u32 v23, $0x1C;
	v52 =	vshll.u32 v37, $0xA;
	v28 =	vld [tilespmem:s25+$0x810];
	v25 =	vor.u32 v50, v25  }
0x82: {  	v23 =	vor.u32 v23, v24;
	v24 =	vshll.u32 v38, $0xB;
	v31 =	vld [tilespmem:s25+$0x820];
	v25 =	vor.u32 v52, v25  }
0x83: {  	v19 =	vor.u32 v19, v23;
	v23 =	vshll.u32 v39, $0xC;
	v27 =	vld [tilespmem:s25+$0x830];
	v24 =	vor.u32 v24, v25  }
0x84: {  	v12 =	vor.u32 v12, v19;
	v19 =	vshll.u32 v40, $0xD;
	v25 =	vld [tilespmem:s25+$0xC00];
	v23 =	vor.u32 v23, v24  }
0x85: {  	v57 =	vnsel vm3, $0x0, v55;
	v29 =	vshll.u32 v29, $0xE;
	v24 =	vld [tilespmem:s25+$0xC10];
	v19 =	vor.u32 v19, v23  }
0x86: {  	v58 =	vor.u32 v13, v12;
	v26 =	vshll.u32 v26, $0xF;
	v23 =	vld [tilespmem:s25+$0xC20];
	v19 =	vor.u32 v29, v19  }
0x87: {  	v12 =	vor.u32 v56, v57;
	v30 =	vshll.u32 v30, $0x10;
	v29 =	vld [tilespmem:s25+$0xC30];
	v19 =	vor.u32 v26, v19  }
0x88: {  	s30 =	simm.s32 $0x2000;
	s26 =	simm.s32 $0x800;
	v28 =	vshll.u32 v28, $0x11;
	v26 =	vld [tilespmem:s25+$0xC40];
	_ =	swait.ge [sflag:s19], $0x2000;
	v13 =	vor.u32 v30, v19;
	v19 =	vnsel vm1, $0x0, v55  }
0x89: {  	s26 =	sand.u32 $0x380, s26;
	s25 =	sand.u32 $0x3000, s30;
	[sflag:s19] =	ssyncset.done $0x0;
	v18 =	vor.u32 v18, v19;
	v19 =	vshll.u32 v31, $0x12;
	v13 =	vor.u32 v28, v13  }
0x8a: {  	s28 =	sor.u32 s26, s25;
	[sflag:s19] =	ssyncadd.s32 $0xFFFFE000;
	v28 =	vandn.u32 v12, v58;
	v12 =	vshll.u32 v27, $0x13;
	v13 =	vor.u32 v19, v13  }
0x8b: {  	v30 =	vshll.u32 v49, $0x14;
	v27 =	vxor.u32 $0xFFFFFFFF, v58;
	v19 =	vld [tilespmem:s28+$0x20];
	v12 =	vor.u32 v12, v13  }
0x8c: {  	v59 =	vshll.u32 v51, $0x15;
	v31 =	vld [tilespmem:s28+$0x10];
	v27 =	vxor.u32 v27, v28;
	v12 =	vor.u32 v30, v12  }
0x8d: {  	v62 =	vld [tilespmem:s28+$0x0];
	v27 =	vor.u32 v14, v27;
	v14 =	vshll.u32 v53, $0x16;
	v30 =	vor.u32 v59, v12  }
0x8e: {  	v60 =	vshll.u32 v54, $0x17;
	v13 =	vld [tilespmem:s28+$0xC70];
	v30 =	vor.u32 v14, v30  }
0x8f: {  	v25 =	vshll.u32 v25, $0x18;
	v12 =	vld [tilespmem:s28+$0xC60];
	v30 =	vor.u32 v60, v30  }
0x90: {  	v24 =	vshll.u32 v24, $0x19;
	v18 =	vand.u32 v18, v58;
	v25 =	vor.u32 v25, v30;
	v30 =	vld [tilespmem:s28+$0x30]  }
0x91: {  	v63 =	vor.u32 v16, v28;
	v16 =	vshll.u32 v23, $0x1A;
	v23 =	vor.u32 v24, v25;
	v24 =	vld [tilespmem:s28+$0x40]  }
0x92: {  	v61 =	vxor.u32 v58, v18;
	v25 =	vor.u32 v18, v28;
	v28 =	vshll.u32 v29, $0x1B;
	v29 =	vld [tilespmem:s28+$0x70]  }
0x93: {  	v15 =	vor.u32 v15, v18;
	v18 =	vshll.u32 v31, $0x1;
	v16 =	vor.u32 v16, v23;
	v23 =	vld [tilespmem:s28+$0x50]  }
0x94: {  	v19 =	vshll.u32 v19, $0x2;
	v18 =	vor.u32 v62, v18;
	v16 =	vor.u32 v28, v16;
	v28 =	vld [tilespmem:s28+$0x60]  }
0x95: {  	v26 =	vshll.u32 v26, $0x1C;
	v18 =	vor.u32 v19, v18;
	v19 =	vld [tilespmem:s28+$0x400];
	v30 =	vshll.u32 v30, $0x3  }
0x96: {  	v22 =	vshll.u32 v22, $0x1D;
	v16 =	vor.u32 v26, v16;
	v18 =	vor.u32 v30, v18;
	v30 =	vld [tilespmem:s28+$0x410]  }
0x97: {  	v16 =	vor.u32 v22, v16;
	v24 =	vshll.u32 v24, $0x4;
	v22 =	vshll.u32 v29, $0x7;
	v29 =	vld [tilespmem:s28+$0x460]  }
0x98: {  	v23 =	vshll.u32 v23, $0x5;
	v18 =	vor.u32 v24, v18;
	v24 =	vld [tilespmem:s28+$0x420]  }
0x99: {  	v20 =	vshll.u32 v20, $0x1F;
	v26 =	vshll.u32 v28, $0x6;
	v28 =	vld [tilespmem:s28+$0x430];
	v18 =	vor.u32 v23, v18  }
0x9a: {  	v21 =	vshll.u32 v21, $0x1E;
	v17 =	vor.u32 v17, v61;
	v23 =	vld [tilespmem:s28+$0x440];
	v18 =	vor.u32 v26, v18  }
0x9b: {  	v16 =	vor.u32 v21, v16;
	v21 =	vld [tilespmem:s28+$0x450];
	v19 =	vshll.u32 v19, $0x8;
	v18 =	vor.u32 v22, v18  }
0x9c: {  	v16 =	vor.u32 v20, v16;
	v26 =	vshll.u32 v30, $0x9;
	v18 =	vor.u32 v19, v18;
	v30 =	vld [tilespmem:s28+$0x470]  }
0x9d: {  	v20 =	vshll.u32 v29, $0xE;
	v29 =	vld [tilespmem:s28+$0x830];
	v24 =	vshll.u32 v24, $0xA;
	v18 =	vor.u32 v26, v18  }
0x9e: {  	v22 =	vxor.u32 $0xFFFFFFFF, v25;
	v28 =	vshll.u32 v28, $0xB;
	v18 =	vor.u32 v24, v18;
	v24 =	vld [tilespmem:s28+$0x800]  }
0x9f: {  	v19 =	vnsel vm2, $0x0, v25;
	v23 =	vshll.u32 v23, $0xC;
	v18 =	vor.u32 v28, v18;
	v28 =	vld [tilespmem:s28+$0x810]  }
0xa0: {  	v21 =	vshll.u32 v21, $0xD;
	v26 =	vnsel vm3, $0x0, v22;
	v18 =	vor.u32 v23, v18;
	v23 =	vld [tilespmem:s28+$0x820]  }
0xa1: {  	v25 =	vnsel vm0, $0x0, v25;
	v19 =	vor.u32 v19, v26;
	v26 =	vld [tilespmem:s28+$0x840];
	v18 =	vor.u32 v21, v18  }
0xa2: {  	v14 =	vld [tilespmem:s28+$0xC50];
	v22 =	vnsel vm1, $0x0, v22;
	v21 =	vshll.u32 v30, $0xF;
	v18 =	vor.u32 v20, v18  }
0xa3: {  	v20 =	vor.u32 v25, v22;
	v22 =	vshll.u32 v24, $0x10;
	v24 =	vld [tilespmem:s28+$0x850];
	v18 =	vor.u32 v21, v18  }
0xa4: {  	v25 =	vld [tilespmem:s28+$0x860];
	v21 =	vandn.u32 v19, v16;
	v19 =	vshll.u32 v28, $0x11;
	v18 =	vor.u32 v22, v18  }
0xa5: {  	v20 =	vand.u32 v20, v16;
	v22 =	vshll.u32 v23, $0x12;
	v23 =	vld [tilespmem:s28+$0x870];
	v18 =	vor.u32 v19, v18  }
0xa6: {  	v26 =	vshll.u32 v26, $0x14;
	v28 =	vshll.u32 v29, $0x13;
	v29 =	vld [tilespmem:s28+$0xC00];
	v18 =	vor.u32 v22, v18  }
0xa7: {  	v30 =	vld [tilespmem:s28+$0xC10];
	v19 =	vor.u32 v20, v21;
	v22 =	vxor.u32 $0xFFFFFFFF, v16;
	v18 =	vor.u32 v28, v18  }
0xa8: {  	s31 =	simm.s32 $0x2200;
	s26 =	simm.s32 $0x880;
	v31 =	vld [tilespmem:s28+$0xC20];
	v16 =	vxor.u32 v16, v20;
	v28 =	vshll.u32 v24, $0x15;
	v18 =	vor.u32 v26, v18  }
0xa9: {  	s25 =	sand.u32 $0x3000, s31;
	s29 =	sand.u32 $0x380, s26;
	v22 =	vxor.u32 v22, v21;
	v25 =	vshll.u32 v25, $0x16;
	v24 =	vld [tilespmem:s28+$0xC30];
	v26 =	vor.u32 v28, v18  }
0xaa: {  	s25 =	sor.u32 s29, s25;
	v18 =	vor.u32 v27, v22;
	v22 =	vshll.u32 v23, $0x17;
	v23 =	vld [tilespmem:s28+$0xC40];
	v26 =	vor.u32 v25, v26  }
0xab: {  	v16 =	vor.u32 v17, v16;
	v27 =	vshll.u32 v29, $0x18;
	v25 =	vld [tilespmem:s25+$0x20];
	v22 =	vor.u32 v22, v26  }
0xac: {  	v17 =	vor.u32 v63, v21;
	v21 =	vshll.u32 v30, $0x19;
	v26 =	vld [tilespmem:s25+$0x10];
	v22 =	vor.u32 v27, v22  }
0xad: {  	v15 =	vor.u32 v15, v20;
	v20 =	vld [tilespmem:s25+$0xC70];
	s28 =	simm.s32 $0x2400;
	v27 =	vshll.u32 v31, $0x1A;
	v28 =	vor.u32 v21, v22  }
.LBB2_4:
0xae: {  	p0 =	sne.s32 s28, $0x3E00;
	v21 =	vld [tilespmem:s25+$0xC60];
	v22 =	vshll.u32 v24, $0x1B;
	v24 =	vor.u32 v27, v28  }
0xaf: {  	v28 =	vshll.u32 v13, $0x1F;
	v27 =	vld [tilespmem:s25+$0xC50];
	v23 =	vshll.u32 v23, $0x1C;
	v13 =	vor.u32 v22, v24  }
0xb0: {  	v14 =	vshll.u32 v14, $0x1D;
	v12 =	vshll.u32 v12, $0x1E;
	v22 =	vld [tilespmem:s25+$0x0];
	v31 =	vor.u32 v23, v13  }
0xb1: {  	v24 =	vshll.u32 v25, $0x2;
	v23 =	vshll.u32 v26, $0x1;
	v25 =	vld [tilespmem:s25+$0x30];
	v30 =	vor.u32 v14, v31  }
0xb2: {  	v32 =	vxor.u32 $0xFFFFFFFF, v19;
	v29 =	vnsel vm2, $0x0, v19;
	v26 =	vld [tilespmem:s25+$0x40];
	v33 =	vor.u32 v12, v30;
	v13 =	vmovc v20  }
0xb3: {  	v19 =	vnsel vm0, $0x0, v19;
	v31 =	vnsel vm1, $0x0, v32;
	v30 =	vnsel vm3, $0x0, v32;
	v20 =	vld [tilespmem:s25+$0x50];
	v12 =	vmovc v21  }
0xb4: {  	v19 =	vor.u32 v19, v31;
	v28 =	vor.u32 v28, v33;
	v29 =	vor.u32 v29, v30;
	v21 =	vld [tilespmem:s25+$0x60];
	v14 =	vmovc v27  }
0xb5: {  	v27 =	vld [tilespmem:s25+$0x70];
	v22 =	vor.u32 v22, v23;
	v23 =	vandn.u32 v29, v28;
	v29 =	vand.u32 v19, v28  }
0xb6: {  	v25 =	vshll.u32 v25, $0x3;
	v30 =	vld [tilespmem:s25+$0x400];
	v22 =	vor.u32 v24, v22;
	v19 =	vor.u32 v29, v23  }
0xb7: {  	v24 =	vshll.u32 v26, $0x4;
	v26 =	vld [tilespmem:s25+$0x410];
	v22 =	vor.u32 v25, v22;
	v25 =	vxor.u32 $0xFFFFFFFF, v28  }
0xb8: {  	v20 =	vshll.u32 v20, $0x5;
	v31 =	vld [tilespmem:s25+$0x420];
	v22 =	vor.u32 v24, v22;
	v24 =	vxor.u32 v25, v23  }
0xb9: {  	v21 =	vshll.u32 v21, $0x6;
	v25 =	vld [tilespmem:s25+$0x430];
	v20 =	vor.u32 v20, v22;
	v22 =	vxor.u32 v28, v29  }
0xba: {  	v18 =	vor.u32 v18, v24;
	v27 =	vshll.u32 v27, $0x7;
	v28 =	vld [tilespmem:s25+$0x440];
	v20 =	vor.u32 v21, v20  }
0xbb: {  	v16 =	vor.u32 v16, v22;
	v21 =	vshll.u32 v30, $0x8;
	v24 =	vld [tilespmem:s25+$0x450];
	v20 =	vor.u32 v27, v20  }
0xbc: {  	v17 =	vor.u32 v17, v23;
	v22 =	vshll.u32 v26, $0x9;
	v26 =	vld [tilespmem:s25+$0x460];
	v20 =	vor.u32 v21, v20  }
0xbd: {  	v15 =	vor.u32 v15, v29;
	v21 =	vshll.u32 v31, $0xA;
	v23 =	vld [tilespmem:s25+$0x470];
	v20 =	vor.u32 v22, v20  }
0xbe: {  	v22 =	vshll.u32 v25, $0xB;
	v25 =	vld [tilespmem:s25+$0x800];
	v20 =	vor.u32 v21, v20  }
0xbf: {  	v21 =	vshll.u32 v28, $0xC;
	v27 =	vld [tilespmem:s25+$0x810];
	v20 =	vor.u32 v22, v20  }
0xc0: {  	v22 =	vshll.u32 v24, $0xD;
	v24 =	vld [tilespmem:s25+$0x820];
	v20 =	vor.u32 v21, v20  }
0xc1: {  	v21 =	vshll.u32 v26, $0xE;
	v26 =	vld [tilespmem:s25+$0x830];
	v20 =	vor.u32 v22, v20  }
0xc2: {  	v22 =	vshll.u32 v23, $0xF;
	v23 =	vld [tilespmem:s25+$0x840];
	v20 =	vor.u32 v21, v20  }
0xc3: {  	v21 =	vshll.u32 v25, $0x10;
	v25 =	vld [tilespmem:s25+$0x850];
	v20 =	vor.u32 v22, v20  }
0xc4: {  	v22 =	vshll.u32 v27, $0x11;
	v27 =	vld [tilespmem:s25+$0x860];
	v20 =	vor.u32 v21, v20  }
0xc5: {  	v21 =	vshll.u32 v24, $0x12;
	v28 =	vld [tilespmem:s25+$0x870];
	v20 =	vor.u32 v22, v20  }
0xc6: {  	v22 =	vshll.u32 v26, $0x13;
	v26 =	vld [tilespmem:s25+$0xC00];
	v20 =	vor.u32 v21, v20  }
0xc7: {  	v21 =	vshll.u32 v23, $0x14;
	v29 =	vld [tilespmem:s25+$0xC10];
	v20 =	vor.u32 v22, v20  }
0xc8: {  	s26 =	sadd.s32 $0x80, s26;
	v22 =	vshll.u32 v25, $0x15;
	v30 =	vld [tilespmem:s25+$0xC20];
	v20 =	vor.u32 v21, v20  }
.Ltmp1:
0xc9: {  	s29 =	sand.u32 $0x3000, s28;
	s30 =	sand.u32 $0x380, s26;
	v21 =	vshll.u32 v27, $0x16;
	v24 =	vld [tilespmem:s25+$0xC30];
	v20 =	vor.u32 v22, v20;
	(pc) =	sbr.rel @p0 .LBB2_4-.Ltmp1, $4  }
0xca: {  	v22 =	vshll.u32 v28, $0x17;
	v23 =	vld [tilespmem:s25+$0xC40];
	s25 =	sor.u32 s30, s29;
	v20 =	vor.u32 v21, v20  }
0xcb: {  	v25 =	vld [tilespmem:s25+$0x20];
	v21 =	vshll.u32 v26, $0x18;
	v20 =	vor.u32 v22, v20  }
0xcc: {  	v26 =	vld [tilespmem:s25+$0x10];
	v22 =	vshll.u32 v29, $0x19;
	v21 =	vor.u32 v21, v20  }
0xcd: {  	s28 =	sadd.s32 $0x200, s28;
	v20 =	vld [tilespmem:s25+$0xC70];
	v27 =	vshll.u32 v30, $0x1A;
	v28 =	vor.u32 v22, v21  }
0xce: {  	v21 =	vld [tilespmem:s25+$0xC60]  }
0xcf: {  	v22 =	vld [tilespmem:s25+$0xC50]  }
0xd0: {  	v29 =	vld [tilespmem:s25+$0x0]  }
0xd1: {  	v30 =	vld [tilespmem:s25+$0x30]  }
0xd2: {  	v31 =	vld [tilespmem:s25+$0x40]  }
0xd3: {  	v32 =	vld [tilespmem:s25+$0x50]  }
0xd4: {  	v33 =	vld [tilespmem:s25+$0x60]  }
0xd5: {  	v34 =	vld [tilespmem:s25+$0x70]  }
0xd6: {  	v35 =	vld [tilespmem:s25+$0x400]  }
0xd7: {  	v36 =	vld [tilespmem:s25+$0x410]  }
0xd8: {  	v37 =	vld [tilespmem:s25+$0x420]  }
0xd9: {  	v38 =	vld [tilespmem:s25+$0x430]  }
0xda: {  	v39 =	vld [tilespmem:s25+$0x440]  }
0xdb: {  	v40 =	vld [tilespmem:s25+$0x450];
	v27 =	vor.u32 v27, v28;
	v24 =	vshll.u32 v24, $0x1B;
	v26 =	vshll.u32 v26, $0x1  }
0xdc: {  	v45 =	vld [tilespmem:s25+$0x460];
	v13 =	vshll.u32 v13, $0x1F;
	v25 =	vshll.u32 v25, $0x2;
	v26 =	vor.u32 v29, v26  }
0xdd: {  	v47 =	vld [tilespmem:s25+$0x800];
	v14 =	vshll.u32 v14, $0x1D;
	v30 =	vshll.u32 v30, $0x3;
	v25 =	vor.u32 v25, v26  }
0xde: {  	v49 =	vld [tilespmem:s25+$0x810];
	v12 =	vshll.u32 v12, $0x1E;
	v46 =	vshll.u32 v31, $0x4;
	v25 =	vor.u32 v30, v25  }
0xdf: {  	v50 =	vld [tilespmem:s25+$0x820];
	v59 =	vxor.u32 $0xFFFFFFFF, v19;
	v48 =	vshll.u32 v32, $0x5;
	v25 =	vor.u32 v46, v25  }
0xe0: {  	v53 =	vld [tilespmem:s25+$0x840];
	v24 =	vor.u32 v24, v27;
	v27 =	vshll.u32 v33, $0x6;
	v25 =	vor.u32 v48, v25  }
0xe1: {  	v55 =	vld [tilespmem:s25+$0x850];
	v60 =	vnsel vm2, $0x0, v19;
	v51 =	vshll.u32 v34, $0x7;
	v25 =	vor.u32 v27, v25  }
0xe2: {  	v57 =	vld [tilespmem:s25+$0x860];
	v19 =	vnsel vm0, $0x0, v19;
	v52 =	vshll.u32 v35, $0x8;
	v25 =	vor.u32 v51, v25  }
0xe3: {  	v58 =	vld [tilespmem:s25+$0x870];
	v23 =	vshll.u32 v23, $0x1C;
	v54 =	vshll.u32 v36, $0x9;
	v25 =	vor.u32 v52, v25  }
0xe4: {  	v62 =	vnsel vm3, $0x0, v59;
	v56 =	vshll.u32 v37, $0xA;
	v26 =	vld [tilespmem:s25+$0x470];
	v25 =	vor.u32 v54, v25  }
0xe5: {  	v61 =	vld [tilespmem:s25+$0xC30];
	v23 =	vor.u32 v23, v24;
	v24 =	vshll.u32 v38, $0xB;
	v25 =	vor.u32 v56, v25  }
0xe6: {  	v14 =	vor.u32 v14, v23;
	v23 =	vshll.u32 v39, $0xC;
	v27 =	vld [tilespmem:s25+$0x830];
	v24 =	vor.u32 v24, v25  }
0xe7: {  	v12 =	vor.u32 v12, v14;
	v14 =	vshll.u32 v40, $0xD;
	v25 =	vld [tilespmem:s25+$0xC00];
	v23 =	vor.u32 v23, v24  }
0xe8: {  	v29 =	vshll.u32 v45, $0xE;
	v63 =	vor.u32 v13, v12;
	v24 =	vld [tilespmem:s25+$0xC10];
	v14 =	vor.u32 v14, v23  }
0xe9: {  	v12 =	vor.u32 v60, v62;
	v26 =	vshll.u32 v26, $0xF;
	v23 =	vld [tilespmem:s25+$0xC20];
	v14 =	vor.u32 v29, v14  }
0xea: {  	s30 =	simm.s32 $0x4000;
	s26 =	simm.s32 $0x1000;
	v28 =	vshll.u32 v49, $0x11;
	v30 =	vshll.u32 v47, $0x10;
	v14 =	vor.u32 v26, v14;
	v26 =	vld [tilespmem:s25+$0xC40];
	_ =	swait.ge [sflag:s20], $0x2000  }
0xeb: {  	s26 =	sand.u32 $0x380, s26;
	v43 =	vshll.u32 v53, $0x14;
	s25 =	sand.u32 $0x7000, s30;
	v13 =	vor.u32 v30, v14;
	v14 =	vnsel vm1, $0x0, v59;
	[sflag:s20] =	ssyncset.done $0x0  }
0xec: {  	s28 =	sor.u32 s26, s25;
	v14 =	vor.u32 v19, v14;
	v19 =	vshll.u32 v50, $0x12;
	v13 =	vor.u32 v28, v13;
	[sflag:s20] =	ssyncadd.s32 $0xFFFFE000  }
0xed: {  	v42 =	vandn.u32 v12, v63;
	v12 =	vshll.u32 v27, $0x13;
	v13 =	vor.u32 v19, v13;
	v19 =	vld [tilespmem:s28+$0x20]  }
0xee: {  	v45 =	vshll.u32 v55, $0x15;
	v27 =	vxor.u32 $0xFFFFFFFF, v63;
	v44 =	vld [tilespmem:s28+$0x10];
	v12 =	vor.u32 v12, v13  }
0xef: {  	v27 =	vxor.u32 v27, v42;
	v46 =	vand.u32 v14, v63;
	v14 =	vld [tilespmem:s28+$0xC50];
	v12 =	vor.u32 v43, v12  }
0xf0: {  	v18 =	vor.u32 v18, v27;
	v27 =	vshll.u32 v57, $0x16;
	v49 =	vld [tilespmem:s28+$0x0];
	v30 =	vor.u32 v45, v12  }
0xf1: {  	v47 =	vshll.u32 v58, $0x17;
	v52 =	vld [tilespmem:s28+$0x60];
	v27 =	vor.u32 v27, v30  }
0xf2: {  	v25 =	vshll.u32 v25, $0x18;
	v55 =	vld [tilespmem:s28+$0x430];
	v48 =	vxor.u32 v63, v46;
	v27 =	vor.u32 v47, v27  }
0xf3: {  	v30 =	vor.u32 v16, v48;
	v16 =	vshll.u32 v24, $0x19;
	v24 =	vor.u32 v25, v27;
	v25 =	vld [tilespmem:s28+$0x30]  }
0xf4: {  	v27 =	vor.u32 v17, v42;
	v17 =	vshll.u32 v23, $0x1A;
	v23 =	vld [tilespmem:s28+$0x40];
	v16 =	vor.u32 v16, v24  }
0xf5: {  	v20 =	vshll.u32 v20, $0x1F;
	v22 =	vshll.u32 v22, $0x1D;
	v16 =	vor.u32 v17, v16;
	v17 =	vld [tilespmem:s28+$0x50]  }
0xf6: {  	v21 =	vshll.u32 v21, $0x1E;
	v50 =	vshll.u32 v61, $0x1B;
	v53 =	vld [tilespmem:s28+$0x70];
	v51 =	vshll.u32 v44, $0x1  }
0xf7: {  	v54 =	vld [tilespmem:s28+$0x400];
	v15 =	vor.u32 v15, v46;
	v19 =	vshll.u32 v19, $0x2;
	v28 =	vor.u32 v49, v51  }
0xf8: {  	v56 =	vld [tilespmem:s28+$0x460];
	v26 =	vshll.u32 v26, $0x1C;
	v19 =	vor.u32 v19, v28;
	v25 =	vshll.u32 v25, $0x3  }
0xf9: {  	v29 =	vshll.u32 v55, $0xB;
	v23 =	vshll.u32 v23, $0x4;
	v19 =	vor.u32 v25, v19;
	v25 =	vld [tilespmem:s28+$0x410]  }
0xfa: {  	v16 =	vor.u32 v50, v16;
	v17 =	vshll.u32 v17, $0x5;
	v19 =	vor.u32 v23, v19;
	v23 =	vld [tilespmem:s28+$0x420]  }
0xfb: {  	v57 =	vld [tilespmem:s28+$0x470];
	v16 =	vor.u32 v26, v16;
	v26 =	vshll.u32 v52, $0x6;
	v17 =	vor.u32 v17, v19  }
0xfc: {  	v16 =	vor.u32 v22, v16;
	v22 =	vld [tilespmem:s28+$0x440];
	v19 =	vshll.u32 v53, $0x7;
	v17 =	vor.u32 v26, v17  }
0xfd: {  	v16 =	vor.u32 v21, v16;
	v21 =	vshll.u32 v54, $0x8;
	v26 =	vld [tilespmem:s28+$0x450];
	v17 =	vor.u32 v19, v17  }
0xfe: {  	v58 =	vld [tilespmem:s28+$0x810];
	v24 =	vor.u32 v46, v42;
	v25 =	vshll.u32 v25, $0x9;
	v17 =	vor.u32 v21, v17  }
0xff: {  	v59 =	vld [tilespmem:s28+$0x830];
	v16 =	vor.u32 v20, v16;
	v23 =	vshll.u32 v23, $0xA;
	v17 =	vor.u32 v25, v17  }
0x100: {  	v20 =	vshll.u32 v56, $0xE;
	v19 =	vxor.u32 $0xFFFFFFFF, v24;
	v17 =	vor.u32 v23, v17;
	v23 =	vld [tilespmem:s28+$0x800]  }
0x101: {  	v60 =	vld [tilespmem:s28+$0x870];
	v22 =	vshll.u32 v22, $0xC;
	v21 =	vnsel vm2, $0x0, v24;
	v17 =	vor.u32 v29, v17  }
0x102: {  	v24 =	vnsel vm0, $0x0, v24;
	v26 =	vshll.u32 v26, $0xD;
	v17 =	vor.u32 v22, v17;
	v22 =	vld [tilespmem:s28+$0x820]  }
0x103: {  	v61 =	vld [tilespmem:s28+$0xC00];
	v25 =	vnsel vm3, $0x0, v19;
	v19 =	vnsel vm1, $0x0, v19;
	v17 =	vor.u32 v26, v17  }
0x104: {  	v21 =	vor.u32 v21, v25;
	v25 =	vshll.u32 v57, $0xF;
	v26 =	vld [tilespmem:s28+$0x840];
	v17 =	vor.u32 v20, v17  }
0x105: {  	v19 =	vor.u32 v24, v19;
	v20 =	vshll.u32 v23, $0x10;
	v23 =	vld [tilespmem:s28+$0x850];
	v17 =	vor.u32 v25, v17  }
0x106: {  	v24 =	vandn.u32 v21, v16;
	v21 =	vshll.u32 v58, $0x11;
	v25 =	vld [tilespmem:s28+$0x860];
	v17 =	vor.u32 v20, v17  }
0x107: {  	v62 =	vld [tilespmem:s28+$0xC10];
	v20 =	vand.u32 v19, v16;
	v22 =	vshll.u32 v22, $0x12;
	v17 =	vor.u32 v21, v17  }
0x108: {  	v13 =	vld [tilespmem:s28+$0xC70];
	v19 =	vor.u32 v20, v24;
	v21 =	vshll.u32 v59, $0x13;
	v17 =	vor.u32 v22, v17  }
0x109: {  	v63 =	vld [tilespmem:s28+$0xC20];
	v22 =	vxor.u32 $0xFFFFFFFF, v16;
	v26 =	vshll.u32 v26, $0x14;
	v17 =	vor.u32 v21, v17  }
0x10a: {  	s31 =	simm.s32 $0x4200;
	s26 =	simm.s32 $0x1080;
	v12 =	vld [tilespmem:s28+$0xC60];
	v21 =	vxor.u32 v22, v24;
	v23 =	vshll.u32 v23, $0x15;
	v17 =	vor.u32 v26, v17  }
0x10b: {  	s25 =	sand.u32 $0x7000, s31;
	s29 =	sand.u32 $0x380, s26;
	v22 =	vld [tilespmem:s28+$0xC30];
	v26 =	vxor.u32 v16, v20;
	v25 =	vshll.u32 v25, $0x16;
	v17 =	vor.u32 v23, v17  }
0x10c: {  	s25 =	sor.u32 s29, s25;
	v16 =	vor.u32 v18, v21;
	v18 =	vshll.u32 v60, $0x17;
	v21 =	vld [tilespmem:s28+$0xC40];
	v25 =	vor.u32 v25, v17  }
0x10d: {  	v23 =	vld [tilespmem:s25+$0x20];
	v17 =	vor.u32 v30, v26;
	v26 =	vshll.u32 v61, $0x18;
	v25 =	vor.u32 v18, v25  }
0x10e: {  	v18 =	vor.u32 v27, v24;
	v24 =	vld [tilespmem:s25+$0x10];
	v27 =	vshll.u32 v62, $0x19;
	v26 =	vor.u32 v26, v25  }
0x10f: {  	v15 =	vor.u32 v15, v20;
	v20 =	vld [tilespmem:s25+$0xC70];
	s28 =	simm.s32 $0x4400;
	v25 =	vshll.u32 v63, $0x1A;
	v26 =	vor.u32 v27, v26  }
.LBB2_6:
0x110: {  	p0 =	sne.s32 s28, $0x5E00;
	v27 =	vld [tilespmem:s25+$0xC60];
	v22 =	vshll.u32 v22, $0x1B;
	v25 =	vor.u32 v25, v26  }
0x111: {  	v28 =	vshll.u32 v13, $0x1F;
	v26 =	vld [tilespmem:s25+$0xC50];
	v21 =	vshll.u32 v21, $0x1C;
	v13 =	vor.u32 v22, v25  }
0x112: {  	v14 =	vshll.u32 v14, $0x1D;
	v12 =	vshll.u32 v12, $0x1E;
	v22 =	vld [tilespmem:s25+$0x0];
	v31 =	vor.u32 v21, v13  }
0x113: {  	v23 =	vshll.u32 v23, $0x2;
	v21 =	vshll.u32 v24, $0x1;
	v24 =	vld [tilespmem:s25+$0x30];
	v30 =	vor.u32 v14, v31  }
0x114: {  	v32 =	vxor.u32 $0xFFFFFFFF, v19;
	v29 =	vnsel vm2, $0x0, v19;
	v25 =	vld [tilespmem:s25+$0x40];
	v33 =	vor.u32 v12, v30;
	v13 =	vmovc v20  }
0x115: {  	v19 =	vnsel vm0, $0x0, v19;
	v31 =	vnsel vm1, $0x0, v32;
	v30 =	vnsel vm3, $0x0, v32;
	v20 =	vld [tilespmem:s25+$0x50];
	v12 =	vmovc v27  }
0x116: {  	v19 =	vor.u32 v19, v31;
	v28 =	vor.u32 v28, v33;
	v29 =	vor.u32 v29, v30;
	v27 =	vld [tilespmem:s25+$0x60];
	v14 =	vmovc v26  }
0x117: {  	v26 =	vld [tilespmem:s25+$0x70];
	v21 =	vor.u32 v22, v21;
	v22 =	vandn.u32 v29, v28;
	v29 =	vand.u32 v19, v28  }
0x118: {  	v24 =	vshll.u32 v24, $0x3;
	v30 =	vld [tilespmem:s25+$0x400];
	v21 =	vor.u32 v23, v21;
	v19 =	vor.u32 v29, v22  }
0x119: {  	v23 =	vshll.u32 v25, $0x4;
	v25 =	vld [tilespmem:s25+$0x410];
	v21 =	vor.u32 v24, v21;
	v24 =	vxor.u32 $0xFFFFFFFF, v28  }
0x11a: {  	v20 =	vshll.u32 v20, $0x5;
	v31 =	vld [tilespmem:s25+$0x420];
	v21 =	vor.u32 v23, v21;
	v23 =	vxor.u32 v24, v22  }
0x11b: {  	v24 =	vshll.u32 v27, $0x6;
	v27 =	vld [tilespmem:s25+$0x430];
	v20 =	vor.u32 v20, v21;
	v21 =	vxor.u32 v28, v29  }
0x11c: {  	v16 =	vor.u32 v16, v23;
	v26 =	vshll.u32 v26, $0x7;
	v28 =	vld [tilespmem:s25+$0x440];
	v20 =	vor.u32 v24, v20  }
0x11d: {  	v17 =	vor.u32 v17, v21;
	v23 =	vshll.u32 v30, $0x8;
	v24 =	vld [tilespmem:s25+$0x450];
	v20 =	vor.u32 v26, v20  }
0x11e: {  	v18 =	vor.u32 v18, v22;
	v21 =	vshll.u32 v25, $0x9;
	v25 =	vld [tilespmem:s25+$0x460];
	v20 =	vor.u32 v23, v20  }
0x11f: {  	v15 =	vor.u32 v15, v29;
	v22 =	vshll.u32 v31, $0xA;
	v23 =	vld [tilespmem:s25+$0x470];
	v20 =	vor.u32 v21, v20  }
0x120: {  	v21 =	vshll.u32 v27, $0xB;
	v26 =	vld [tilespmem:s25+$0x800];
	v20 =	vor.u32 v22, v20  }
0x121: {  	v22 =	vshll.u32 v28, $0xC;
	v27 =	vld [tilespmem:s25+$0x810];
	v20 =	vor.u32 v21, v20  }
0x122: {  	v21 =	vshll.u32 v24, $0xD;
	v24 =	vld [tilespmem:s25+$0x820];
	v20 =	vor.u32 v22, v20  }
0x123: {  	v22 =	vshll.u32 v25, $0xE;
	v25 =	vld [tilespmem:s25+$0x830];
	v20 =	vor.u32 v21, v20  }
0x124: {  	v21 =	vshll.u32 v23, $0xF;
	v23 =	vld [tilespmem:s25+$0x840];
	v20 =	vor.u32 v22, v20  }
0x125: {  	v22 =	vshll.u32 v26, $0x10;
	v26 =	vld [tilespmem:s25+$0x850];
	v20 =	vor.u32 v21, v20  }
0x126: {  	v21 =	vshll.u32 v27, $0x11;
	v27 =	vld [tilespmem:s25+$0x860];
	v20 =	vor.u32 v22, v20  }
0x127: {  	v22 =	vshll.u32 v24, $0x12;
	v24 =	vld [tilespmem:s25+$0x870];
	v20 =	vor.u32 v21, v20  }
0x128: {  	v21 =	vshll.u32 v25, $0x13;
	v25 =	vld [tilespmem:s25+$0xC00];
	v20 =	vor.u32 v22, v20  }
0x129: {  	v22 =	vshll.u32 v23, $0x14;
	v28 =	vld [tilespmem:s25+$0xC10];
	v20 =	vor.u32 v21, v20  }
0x12a: {  	s26 =	sadd.s32 $0x80, s26;
	v21 =	vshll.u32 v26, $0x15;
	v26 =	vld [tilespmem:s25+$0xC20];
	v20 =	vor.u32 v22, v20  }
.Ltmp2:
0x12b: {  	s29 =	sand.u32 $0x7000, s28;
	s30 =	sand.u32 $0x380, s26;
	v23 =	vshll.u32 v27, $0x16;
	v22 =	vld [tilespmem:s25+$0xC30];
	v20 =	vor.u32 v21, v20;
	(pc) =	sbr.rel @p0 .LBB2_6-.Ltmp2, $4  }
0x12c: {  	v24 =	vshll.u32 v24, $0x17;
	v21 =	vld [tilespmem:s25+$0xC40];
	s25 =	sor.u32 s30, s29;
	v20 =	vor.u32 v23, v20  }
0x12d: {  	v23 =	vld [tilespmem:s25+$0x20];
	v25 =	vshll.u32 v25, $0x18;
	v20 =	vor.u32 v24, v20  }
0x12e: {  	v24 =	vld [tilespmem:s25+$0x10];
	v27 =	vshll.u32 v28, $0x19;
	v28 =	vor.u32 v25, v20  }
0x12f: {  	s28 =	sadd.s32 $0x200, s28;
	v20 =	vld [tilespmem:s25+$0xC70];
	v25 =	vshll.u32 v26, $0x1A;
	v26 =	vor.u32 v27, v28  }
0x130: {  	v27 =	vld [tilespmem:s25+$0x0]  }
0x131: {  	v28 =	vld [tilespmem:s25+$0x30]  }
0x132: {  	v29 =	vld [tilespmem:s25+$0x40]  }
0x133: {  	v30 =	vld [tilespmem:s25+$0x50]  }
0x134: {  	v31 =	vld [tilespmem:s25+$0x60]  }
0x135: {  	v51 =	vld [tilespmem:s25+$0x410];
	v24 =	vshll.u32 v24, $0x1  }
0x136: {  	v23 =	vshll.u32 v23, $0x2;
	v24 =	vor.u32 v27, v24;
	v27 =	vld [tilespmem:s25+$0x70]  }
0x137: {  	v22 =	vshll.u32 v22, $0x1B;
	v28 =	vshll.u32 v28, $0x3;
	v23 =	vor.u32 v23, v24;
	v24 =	vld [tilespmem:s25+$0x400]  }
0x138: {  	v25 =	vor.u32 v25, v26;
	v52 =	vld [tilespmem:s25+$0x420];
	v29 =	vshll.u32 v29, $0x4;
	v23 =	vor.u32 v28, v23  }
0x139: {  	v54 =	vld [tilespmem:s25+$0x430];
	v13 =	vshll.u32 v13, $0x1F;
	v26 =	vshll.u32 v30, $0x5;
	v23 =	vor.u32 v29, v23  }
0x13a: {  	v14 =	vshll.u32 v14, $0x1D;
	v56 =	vld [tilespmem:s25+$0x470];
	v53 =	vshll.u32 v31, $0x6;
	v23 =	vor.u32 v26, v23  }
0x13b: {  	v12 =	vshll.u32 v12, $0x1E;
	v26 =	vshll.u32 v27, $0x7;
	v27 =	vld [tilespmem:s25+$0x440];
	v23 =	vor.u32 v53, v23  }
0x13c: {  	v22 =	vor.u32 v22, v25;
	v25 =	vld [tilespmem:s25+$0x450];
	v24 =	vshll.u32 v24, $0x8;
	v23 =	vor.u32 v26, v23  }
0x13d: {  	v55 =	vld [tilespmem:s25+$0x460];
	v21 =	vshll.u32 v21, $0x1C;
	v26 =	vshll.u32 v51, $0x9;
	v23 =	vor.u32 v24, v23  }
0x13e: {  	v21 =	vor.u32 v21, v22;
	v24 =	vshll.u32 v52, $0xA;
	v23 =	vor.u32 v26, v23  }
0x13f: {  	v14 =	vor.u32 v14, v21;
	v22 =	vshll.u32 v54, $0xB;
	v26 =	vld [tilespmem:s25+$0x800];
	v23 =	vor.u32 v24, v23  }
0x140: {  	v12 =	vor.u32 v12, v14;
	v24 =	vld [tilespmem:s25+$0x810];
	v21 =	vshll.u32 v27, $0xC;
	v22 =	vor.u32 v22, v23  }
0x141: {  	v57 =	vshll.u32 v56, $0xF;
	v14 =	vshll.u32 v25, $0xD;
	v23 =	vld [tilespmem:s25+$0x820];
	v21 =	vor.u32 v21, v22  }
0x142: {  	v12 =	vor.u32 v13, v12;
	v25 =	vshll.u32 v55, $0xE;
	v27 =	vld [tilespmem:s25+$0x830];
	v14 =	vor.u32 v14, v21  }
0x143: {  	v58 =	vld [tilespmem:s25+$0x840];
	v62 =	vxor.u32 $0xFFFFFFFF, v12;
	v22 =	vxor.u32 $0xFFFFFFFF, v19;
	v14 =	vor.u32 v25, v14  }
0x144: {  	v59 =	vld [tilespmem:s25+$0x850];
	v21 =	vnsel vm2, $0x0, v19;
	v26 =	vshll.u32 v26, $0x10;
	v14 =	vor.u32 v57, v14  }
0x145: {  	v60 =	vld [tilespmem:s25+$0x860];
	v19 =	vnsel vm0, $0x0, v19;
	v24 =	vshll.u32 v24, $0x11;
	v14 =	vor.u32 v26, v14  }
0x146: {  	v25 =	vnsel vm3, $0x0, v22;
	v23 =	vshll.u32 v23, $0x12;
	v26 =	vld [tilespmem:s25+$0x870];
	v14 =	vor.u32 v24, v14  }
0x147: {  	v22 =	vnsel vm1, $0x0, v22;
	v13 =	vshll.u32 v27, $0x13;
	v24 =	vld [tilespmem:s25+$0xC00];
	v14 =	vor.u32 v23, v14  }
0x148: {  	v21 =	vor.u32 v21, v25;
	v25 =	vld [tilespmem:s25+$0xC10];
	v23 =	vshll.u32 v58, $0x14;
	v13 =	vor.u32 v13, v14  }
0x149: {  	v14 =	vor.u32 v19, v22;
	v19 =	vshll.u32 v59, $0x15;
	v22 =	vld [tilespmem:s25+$0xC20];
	v13 =	vor.u32 v23, v13  }
0x14a: {  	v21 =	vandn.u32 v21, v12;
	v27 =	vld [tilespmem:s25+$0xC30];
	v23 =	vshll.u32 v60, $0x16;
	v13 =	vor.u32 v19, v13  }
0x14b: {  	v18 =	vor.u32 v18, v21;
	v19 =	vshll.u32 v26, $0x17;
	v26 =	vld [tilespmem:s25+$0xC40];
	v13 =	vor.u32 v23, v13  }
0x14c: {  	v14 =	vand.u32 v14, v12;
	v23 =	vld [tilespmem:s25+$0xC50];
	v24 =	vshll.u32 v24, $0x18;
	v13 =	vor.u32 v19, v13  }
0x14d: {  	v25 =	vshll.u32 v25, $0x19;
	v61 =	vor.u32 v14, v21;
	v19 =	vld [tilespmem:s25+$0xC60];
	v13 =	vor.u32 v24, v13  }
0x14e: {  	v12 =	vxor.u32 v12, v14;
	v22 =	vshll.u32 v22, $0x1A;
	v13 =	vor.u32 v25, v13  }
0x14f: {  	v24 =	vxor.u32 v62, v21;
	v25 =	vshll.u32 v27, $0x1B;
	v13 =	vor.u32 v22, v13  }
0x150: {  	v22 =	vor.u32 v16, v24;
	v16 =	vshll.u32 v26, $0x1C;
	v13 =	vor.u32 v25, v13  }
0x151: {  	v12 =	vor.u32 v17, v12;
	v17 =	vshll.u32 v23, $0x1D;
	v13 =	vor.u32 v16, v13  }
0x152: {  	s26 =	simm.s32 $0x6000;
	s30 =	simm.s32 $0x1800;
	_ =	swait.ge [sflag:s21], $0x2000;
	v21 =	vnsel vm0, $0x0, v61;
	v16 =	vshll.u32 v19, $0x1E;
	v13 =	vor.u32 v17, v13  }
0x153: {  	s26 =	sand.u32 $0x7000, s26;
	s25 =	sand.u32 $0x380, s30;
	[sflag:s21] =	ssyncset.done $0x0;
	v19 =	vnsel vm2, $0x0, v61;
	v13 =	vor.u32 v16, v13;
	v16 =	vxor.u32 $0xFFFFFFFF, v61  }
0x154: {  	s28 =	sor.u32 s25, s26;
	[sflag:s21] =	ssyncadd.s32 $0xFFFFE000;
	v17 =	vshll.u32 v20, $0x1F;
	v20 =	vnsel vm3, $0x0, v16;
	v16 =	vnsel vm1, $0x0, v16  }
0x155: {  	v24 =	vld [tilespmem:s28+$0x40];
	v13 =	vor.u32 v17, v13;
	v17 =	vor.u32 v19, v20;
	v16 =	vor.u32 v21, v16  }
0x156: {  	v26 =	vld [tilespmem:s28+$0x60];
	v19 =	vxor.u32 $0xFFFFFFFF, v13;
	v17 =	vandn.u32 v17, v13;
	v21 =	vand.u32 v16, v13  }
0x157: {  	v27 =	vld [tilespmem:s28+$0x70];
	v20 =	vor.u32 v15, v14;
	v14 =	vxor.u32 v19, v17;
	v13 =	vxor.u32 v13, v21  }
0x158: {  	v15 =	vor.u32 v22, v14;
	v14 =	vor.u32 v12, v13;
	v12 =	vor.u32 v20, v21;
	v20 =	vld [tilespmem:s28+$0x20]  }
0x159: {  	v16 =	vor.u32 v21, v17;
	v21 =	vld [tilespmem:s28+$0x10]  }
0x15a: {  	v22 =	vld [tilespmem:s28+$0x0]  }
0x15b: {  	v23 =	vld [tilespmem:s28+$0x30]  }
0x15c: {  	v63 =	vld [tilespmem:s28+$0xC20]  }
0x15d: {  	v25 =	vld [tilespmem:s28+$0x50]  }
0x15e: {  	v19 =	vld [tilespmem:s28+$0xC50];
	v21 =	vshll.u32 v21, $0x1  }
0x15f: {  	v13 =	vor.u32 v18, v17;
	v18 =	vld [tilespmem:s28+$0xC70];
	v20 =	vshll.u32 v20, $0x2;
	v21 =	vor.u32 v22, v21  }
0x160: {  	v22 =	vshll.u32 v23, $0x3;
	v23 =	vld [tilespmem:s28+$0x400];
	v20 =	vor.u32 v20, v21  }
0x161: {  	v21 =	vshll.u32 v24, $0x4;
	v24 =	vld [tilespmem:s28+$0x410];
	v20 =	vor.u32 v22, v20  }
0x162: {  	v22 =	vshll.u32 v25, $0x5;
	v25 =	vld [tilespmem:s28+$0x420];
	v20 =	vor.u32 v21, v20  }
0x163: {  	v21 =	vshll.u32 v26, $0x6;
	v26 =	vld [tilespmem:s28+$0x430];
	v20 =	vor.u32 v22, v20  }
0x164: {  	v22 =	vshll.u32 v27, $0x7;
	v27 =	vld [tilespmem:s28+$0x440];
	v20 =	vor.u32 v21, v20  }
0x165: {  	v21 =	vshll.u32 v23, $0x8;
	v23 =	vld [tilespmem:s28+$0x450];
	v20 =	vor.u32 v22, v20  }
0x166: {  	v22 =	vshll.u32 v24, $0x9;
	v24 =	vld [tilespmem:s28+$0x460];
	v20 =	vor.u32 v21, v20  }
0x167: {  	v21 =	vshll.u32 v25, $0xA;
	v25 =	vld [tilespmem:s28+$0x470];
	v20 =	vor.u32 v22, v20  }
0x168: {  	v22 =	vshll.u32 v26, $0xB;
	v26 =	vld [tilespmem:s28+$0x800];
	v20 =	vor.u32 v21, v20  }
0x169: {  	v21 =	vshll.u32 v27, $0xC;
	v27 =	vld [tilespmem:s28+$0x810];
	v20 =	vor.u32 v22, v20  }
0x16a: {  	v22 =	vshll.u32 v23, $0xD;
	v23 =	vld [tilespmem:s28+$0x820];
	v20 =	vor.u32 v21, v20  }
0x16b: {  	v21 =	vshll.u32 v24, $0xE;
	v24 =	vld [tilespmem:s28+$0x830];
	v20 =	vor.u32 v22, v20  }
0x16c: {  	v22 =	vshll.u32 v25, $0xF;
	v25 =	vld [tilespmem:s28+$0x840];
	v20 =	vor.u32 v21, v20  }
0x16d: {  	v21 =	vshll.u32 v26, $0x10;
	v26 =	vld [tilespmem:s28+$0x850];
	v20 =	vor.u32 v22, v20  }
0x16e: {  	v22 =	vshll.u32 v27, $0x11;
	v27 =	vld [tilespmem:s28+$0x860];
	v20 =	vor.u32 v21, v20  }
0x16f: {  	v21 =	vshll.u32 v23, $0x12;
	v23 =	vld [tilespmem:s28+$0x870];
	v20 =	vor.u32 v22, v20  }
0x170: {  	v22 =	vshll.u32 v24, $0x13;
	v24 =	vld [tilespmem:s28+$0xC00];
	v20 =	vor.u32 v21, v20  }
0x171: {  	v21 =	vshll.u32 v25, $0x14;
	v25 =	vld [tilespmem:s28+$0xC10];
	v20 =	vor.u32 v22, v20  }
0x172: {  	s31 =	simm.s32 $0x6200;
	s26 =	simm.s32 $0x1880;
	v17 =	vld [tilespmem:s28+$0xC60];
	v26 =	vshll.u32 v26, $0x15;
	v20 =	vor.u32 v21, v20  }
0x173: {  	s25 =	sand.u32 $0x7000, s31;
	s29 =	sand.u32 $0x380, s26;
	v22 =	vld [tilespmem:s28+$0xC30];
	v27 =	vshll.u32 v27, $0x16;
	v20 =	vor.u32 v26, v20  }
0x174: {  	s25 =	sor.u32 s29, s25;
	v21 =	vld [tilespmem:s28+$0xC40];
	v26 =	vshll.u32 v23, $0x17;
	v20 =	vor.u32 v27, v20  }
0x175: {  	v23 =	vld [tilespmem:s25+$0x20];
	v27 =	vshll.u32 v24, $0x18;
	v20 =	vor.u32 v26, v20  }
0x176: {  	v24 =	vld [tilespmem:s25+$0x10];
	v26 =	vshll.u32 v25, $0x19;
	v27 =	vor.u32 v27, v20  }
0x177: {  	s28 =	simm.s32 $0x6400;
	v25 =	vshll.u32 v63, $0x1A;
	v20 =	vld [tilespmem:s25+$0xC70];
	v26 =	vor.u32 v26, v27  }
.LBB2_8:
0x178: {  	p0 =	seq.s32 s28, $0x7E00;
	v27 =	vld [tilespmem:s25+$0xC60];
	v22 =	vshll.u32 v22, $0x1B;
	v25 =	vor.u32 v25, v26  }
0x179: {  	v28 =	vshll.u32 v18, $0x1F;
	v26 =	vld [tilespmem:s25+$0xC50];
	v21 =	vshll.u32 v21, $0x1C;
	v18 =	vor.u32 v22, v25  }
0x17a: {  	v19 =	vshll.u32 v19, $0x1D;
	v17 =	vshll.u32 v17, $0x1E;
	v22 =	vld [tilespmem:s25+$0x0];
	v31 =	vor.u32 v21, v18  }
0x17b: {  	v23 =	vshll.u32 v23, $0x2;
	v21 =	vshll.u32 v24, $0x1;
	v24 =	vld [tilespmem:s25+$0x30];
	v30 =	vor.u32 v19, v31  }
0x17c: {  	v32 =	vxor.u32 $0xFFFFFFFF, v16;
	v29 =	vnsel vm2, $0x0, v16;
	v25 =	vld [tilespmem:s25+$0x40];
	v33 =	vor.u32 v17, v30;
	v18 =	vmovc v20  }
0x17d: {  	v16 =	vnsel vm0, $0x0, v16;
	v31 =	vnsel vm1, $0x0, v32;
	v30 =	vnsel vm3, $0x0, v32;
	v20 =	vld [tilespmem:s25+$0x50];
	v17 =	vmovc v27  }
0x17e: {  	v16 =	vor.u32 v16, v31;
	v28 =	vor.u32 v28, v33;
	v29 =	vor.u32 v29, v30;
	v27 =	vld [tilespmem:s25+$0x60];
	v19 =	vmovc v26  }
0x17f: {  	v26 =	vld [tilespmem:s25+$0x70];
	v21 =	vor.u32 v22, v21;
	v22 =	vandn.u32 v29, v28;
	v29 =	vand.u32 v16, v28  }
0x180: {  	v24 =	vshll.u32 v24, $0x3;
	v30 =	vld [tilespmem:s25+$0x400];
	v21 =	vor.u32 v23, v21;
	v16 =	vor.u32 v29, v22  }
0x181: {  	v23 =	vshll.u32 v25, $0x4;
	v25 =	vld [tilespmem:s25+$0x410];
	v21 =	vor.u32 v24, v21;
	v24 =	vxor.u32 $0xFFFFFFFF, v28  }
0x182: {  	v20 =	vshll.u32 v20, $0x5;
	v31 =	vld [tilespmem:s25+$0x420];
	v21 =	vor.u32 v23, v21;
	v23 =	vxor.u32 v24, v22  }
0x183: {  	v24 =	vshll.u32 v27, $0x6;
	v27 =	vld [tilespmem:s25+$0x430];
	v20 =	vor.u32 v20, v21;
	v21 =	vxor.u32 v28, v29  }
0x184: {  	v15 =	vor.u32 v15, v23;
	v26 =	vshll.u32 v26, $0x7;
	v28 =	vld [tilespmem:s25+$0x440];
	v20 =	vor.u32 v24, v20  }
0x185: {  	v14 =	vor.u32 v14, v21;
	v23 =	vshll.u32 v30, $0x8;
	v24 =	vld [tilespmem:s25+$0x450];
	v20 =	vor.u32 v26, v20  }
0x186: {  	v13 =	vor.u32 v13, v22;
	v21 =	vshll.u32 v25, $0x9;
	v25 =	vld [tilespmem:s25+$0x460];
	v20 =	vor.u32 v23, v20  }
0x187: {  	v12 =	vor.u32 v12, v29;
	v22 =	vshll.u32 v31, $0xA;
	v23 =	vld [tilespmem:s25+$0x470];
	v20 =	vor.u32 v21, v20  }
0x188: {  	v21 =	vshll.u32 v27, $0xB;
	v26 =	vld [tilespmem:s25+$0x800];
	v20 =	vor.u32 v22, v20  }
0x189: {  	v22 =	vshll.u32 v28, $0xC;
	v27 =	vld [tilespmem:s25+$0x810];
	v20 =	vor.u32 v21, v20  }
0x18a: {  	v21 =	vshll.u32 v24, $0xD;
	v24 =	vld [tilespmem:s25+$0x820];
	v20 =	vor.u32 v22, v20  }
0x18b: {  	v22 =	vshll.u32 v25, $0xE;
	v25 =	vld [tilespmem:s25+$0x830];
	v20 =	vor.u32 v21, v20  }
0x18c: {  	v21 =	vshll.u32 v23, $0xF;
	v23 =	vld [tilespmem:s25+$0x840];
	v20 =	vor.u32 v22, v20  }
0x18d: {  	v22 =	vshll.u32 v26, $0x10;
	v26 =	vld [tilespmem:s25+$0x850];
	v20 =	vor.u32 v21, v20  }
0x18e: {  	v21 =	vshll.u32 v27, $0x11;
	v27 =	vld [tilespmem:s25+$0x860];
	v20 =	vor.u32 v22, v20  }
0x18f: {  	v22 =	vshll.u32 v24, $0x12;
	v24 =	vld [tilespmem:s25+$0x870];
	v20 =	vor.u32 v21, v20  }
0x190: {  	v21 =	vshll.u32 v25, $0x13;
	v25 =	vld [tilespmem:s25+$0xC00];
	v20 =	vor.u32 v22, v20  }
0x191: {  	v22 =	vshll.u32 v23, $0x14;
	v28 =	vld [tilespmem:s25+$0xC10];
	v20 =	vor.u32 v21, v20  }
0x192: {  	s26 =	sadd.s32 $0x80, s26;
	v21 =	vshll.u32 v26, $0x15;
	v26 =	vld [tilespmem:s25+$0xC20];
	v20 =	vor.u32 v22, v20  }
.Ltmp3:
0x193: {  	s29 =	sand.u32 $0x7000, s28;
	s30 =	sand.u32 $0x380, s26;
	v23 =	vshll.u32 v27, $0x16;
	v22 =	vld [tilespmem:s25+$0xC30];
	v20 =	vor.u32 v21, v20;
	(pc) =	sbr.rel @!p0 .LBB2_8-.Ltmp3, $4  }
0x194: {  	v24 =	vshll.u32 v24, $0x17;
	v21 =	vld [tilespmem:s25+$0xC40];
	s25 =	sor.u32 s30, s29;
	v20 =	vor.u32 v23, v20  }
0x195: {  	v23 =	vld [tilespmem:s25+$0x20];
	v25 =	vshll.u32 v25, $0x18;
	v20 =	vor.u32 v24, v20  }
0x196: {  	v24 =	vld [tilespmem:s25+$0x10];
	v27 =	vshll.u32 v28, $0x19;
	v28 =	vor.u32 v25, v20  }
0x197: {  	s28 =	sadd.s32 $0x200, s28;
	v20 =	vld [tilespmem:s25+$0xC70];
	v25 =	vshll.u32 v26, $0x1A;
	v26 =	vor.u32 v27, v28  }
0x198: {  	v10 =	vsub.f32 v10, v11;
	_ =	sdelay $0x1  }
0x199: {  	v10 =	vand.u32 $0x7FFFFFFF, v10  }
0x19a: {  	v10 =	vsub.f32 $0.0e+00, v10;
	_ =	sdelay $0x1  }
0x19b: {  	v10 =	vmul.f32 $1.442695020e+00, v10;
	_ =	sdelay $0x1  }
0x19c: {  	(erf) = vpow2.f32 v10;
	_ =	sdelay $0x5  }
0x19d: {  	v8 =	vsub.f32 v8, v9;
	_ =	sdelay $0x1  }
0x19e: {  	v8 =	vand.u32 $0x7FFFFFFF, v8  }
0x19f: {  	v8 =	vsub.f32 $0.0e+00, v8;
	v9 =	vpop (erf)  }
0x1a0: {  	v9 =	vadd.f32 $1.000000000e+00, v9  }
0x1a1: {  	v8 =	vmul.f32 $1.442695020e+00, v8  }
0x1a2: {  	(erf) = vrcp.f32 v9  }
0x1a3: {  	(erf) = vpow2.f32 v8;
	_ =	sdelay $0x5  }
0x1a4: {  	v7 =	vsub.f32 v6, v7;
	_ =	sdelay $0x1  }
0x1a5: {  	v7 =	vand.u32 $0x7FFFFFFF, v7;
	v6 =	vpop (erf)  }
0x1a6: {  	v7 =	vsub.f32 $0.0e+00, v7;
	v8 =	vpop (erf)  }
0x1a7: {  	v8 =	vadd.f32 $1.000000000e+00, v8  }
0x1a8: {  	v7 =	vmul.f32 $1.442695020e+00, v7  }
0x1a9: {  	v27 =	vld [tilespmem:s25+$0x0];
	(erf) = vrcp.f32 v8  }
0x1aa: {  	v28 =	vld [tilespmem:s25+$0x30];
	(erf) = vpow2.f32 v7  }
0x1ab: {  	v29 =	vld [tilespmem:s25+$0x40]  }
0x1ac: {  	v30 =	vld [tilespmem:s25+$0x50];
	v22 =	vshll.u32 v22, $0x1B  }
0x1ad: {  	v31 =	vld [tilespmem:s25+$0x60];
	v25 =	vor.u32 v25, v26;
	v18 =	vshll.u32 v18, $0x1F;
	v19 =	vshll.u32 v19, $0x1D  }
0x1ae: {  	v51 =	vld [tilespmem:s25+$0x70];
	v17 =	vshll.u32 v17, $0x1E;
	v38 =	vxor.u32 $0xFFFFFFFF, v16;
	v41 =	vnsel vm2, $0x0, v16  }
0x1af: {  	v52 =	vld [tilespmem:s25+$0x400];
	v16 =	vnsel vm0, $0x0, v16;
	v5 =	vsub.f32 v4, v5;
	v3 =	vsub.f32 v2, v3  }
0x1b0: {  	v53 =	vld [tilespmem:s25+$0x410];
	v21 =	vshll.u32 v21, $0x1C;
	v22 =	vor.u32 v22, v25;
	v44 =	vnsel vm3, $0x0, v38  }
0x1b1: {  	v55 =	vld [tilespmem:s25+$0x420];
	v23 =	vshll.u32 v23, $0x2;
	v21 =	vor.u32 v21, v22;
	v24 =	vshll.u32 v24, $0x1  }
0x1b2: {  	v57 =	vld [tilespmem:s25+$0x430];
	v5 =	vand.u32 $0x7FFFFFFF, v5;
	v3 =	vand.u32 $0x7FFFFFFF, v3;
	v24 =	vor.u32 v27, v24;
	v4 =	vpop (erf)  }
0x1b3: {  	v59 =	vld [tilespmem:s25+$0x440];
	v5 =	vsub.f32 $0.0e+00, v5;
	v28 =	vshll.u32 v28, $0x3;
	v23 =	vor.u32 v23, v24;
	v7 =	vpop (erf)  }
0x1b4: {  	v60 =	vld [tilespmem:s25+$0x450];
	v29 =	vshll.u32 v29, $0x4;
	v23 =	vor.u32 v28, v23;
	v7 =	vadd.f32 $1.000000000e+00, v7  }
0x1b5: {  	v62 =	vld [tilespmem:s25+$0x460];
	v54 =	vshll.u32 v30, $0x5;
	v5 =	vmul.f32 $1.442695020e+00, v5;
	v23 =	vor.u32 v29, v23  }
0x1b6: {  	v32 =	vld [tilespmem:s25+$0x470];
	v56 =	vshll.u32 v31, $0x6;
	v23 =	vor.u32 v54, v23;
	(erf) = vrcp.f32 v7  }
0x1b7: {  	v34 =	vld [tilespmem:s25+$0x800];
	v58 =	vshll.u32 v51, $0x7;
	v23 =	vor.u32 v56, v23;
	(erf) = vpow2.f32 v5  }
0x1b8: {  	v40 =	vld [tilespmem:s25+$0x830];
	v19 =	vor.u32 v19, v21;
	v24 =	vshll.u32 v52, $0x8;
	v23 =	vor.u32 v58, v23  }
0x1b9: {  	v43 =	vld [tilespmem:s25+$0x840];
	v3 =	vsub.f32 $0.0e+00, v3;
	v61 =	vshll.u32 v53, $0x9;
	v23 =	vor.u32 v24, v23  }
0x1ba: {  	v50 =	vld [tilespmem:s25+$0xC10];
	v17 =	vor.u32 v17, v19;
	v63 =	vshll.u32 v55, $0xA;
	v23 =	vor.u32 v61, v23  }
0x1bb: {  	v46 =	vld [tilespmem:s25+$0x860];
	v33 =	vshll.u32 v57, $0xB;
	v35 =	vshll.u32 v59, $0xC;
	v23 =	vor.u32 v63, v23  }
0x1bc: {  	v36 =	vld [tilespmem:s25+$0x810];
	v19 =	vshll.u32 v60, $0xD;
	v39 =	vshll.u32 v62, $0xE;
	v22 =	vor.u32 v33, v23  }
0x1bd: {  	v37 =	vld [tilespmem:s25+$0x820];
	v42 =	vshll.u32 v32, $0xF;
	v26 =	vshll.u32 v34, $0x10;
	v21 =	vor.u32 v35, v22  }
0x1be: {  	v17 =	vor.u32 v18, v17;
	v18 =	vshll.u32 v40, $0x13;
	v53 =	vld [tilespmem:s25+$0xC30];
	v19 =	vor.u32 v19, v21  }
0x1bf: {  	v49 =	vshll.u32 v43, $0x14;
	v25 =	vshll.u32 v50, $0x19;
	v54 =	vld [tilespmem:s25+$0xC40];
	v19 =	vor.u32 v39, v19;
	v2 =	vpop (erf)  }
0x1c0: {  	v45 =	vld [tilespmem:s25+$0x850];
	v3 =	vmul.f32 $1.442695020e+00, v3;
	v52 =	vshll.u32 v46, $0x16;
	v19 =	vor.u32 v42, v19;
	v5 =	vpop (erf)  }
0x1c1: {  	v24 =	vshll.u32 v36, $0x11;
	v19 =	vor.u32 v26, v19;
	v5 =	vadd.f32 $1.000000000e+00, v5  }
0x1c2: {  	v47 =	vld [tilespmem:s25+$0x870];
	v57 =	vxor.u32 $0xFFFFFFFF, v17;
	v23 =	vshll.u32 v37, $0x12;
	v19 =	vor.u32 v24, v19  }
0x1c3: {  	v48 =	vld [tilespmem:s25+$0xC00];
	v59 =	vshll.u32 v53, $0x1B;
	v19 =	vor.u32 v23, v19;
	(erf) = vrcp.f32 v5  }
0x1c4: {  	v51 =	vld [tilespmem:s25+$0xC20];
	v60 =	vshll.u32 v54, $0x1C;
	v18 =	vor.u32 v18, v19;
	(erf) = vpow2.f32 v3  }
0x1c5: {  	v22 =	vnsel vm1, $0x0, v38;
	v19 =	vshll.u32 v45, $0x15;
	v18 =	vor.u32 v49, v18  }
0x1c6: {  	v21 =	vor.u32 v41, v44;
	v16 =	vor.u32 v16, v22;
	v18 =	vor.u32 v19, v18  }
0x1c7: {  	v55 =	vld [tilespmem:s25+$0xC50];
	v21 =	vandn.u32 v21, v17;
	v19 =	vshll.u32 v47, $0x17;
	v18 =	vor.u32 v52, v18  }
0x1c8: {  	v16 =	vand.u32 v16, v17;
	v24 =	vshll.u32 v48, $0x18;
	v18 =	vor.u32 v19, v18;
	v19 =	vld [tilespmem:s25+$0xC60]  }
0x1c9: {  	v22 =	vshll.u32 v51, $0x1A;
	v56 =	vor.u32 v16, v21;
	v18 =	vor.u32 v24, v18  }
0x1ca: {  	v58 =	vxor.u32 v57, v21;
	v17 =	vxor.u32 v17, v16;
	v18 =	vor.u32 v25, v18  }
0x1cb: {  	v21 =	vor.u32 v13, v21;
	v63 =	vor.u32 v12, v16;
	v18 =	vor.u32 v22, v18  }
0x1cc: {  	v14 =	vor.u32 v14, v17;
	v17 =	vshll.u32 v55, $0x1D;
	v18 =	vor.u32 v59, v18;
	v3 =	vpop (erf)  }
0x1cd: {  	v62 =	vnsel vm0, $0x0, v56;
	v18 =	vor.u32 v60, v18;
	v13 =	vshll.u32 v19, $0x1E;
	v5 =	vpop (erf)  }
0x1ce: {  	v19 =	vnsel vm2, $0x0, v56;
	v17 =	vor.u32 v17, v18;
	v5 =	vadd.f32 $1.000000000e+00, v5  }
0x1cf: {  	v18 =	vshll.u32 v20, $0x1F;
	v13 =	vor.u32 v13, v17;
	v17 =	vxor.u32 $0xFFFFFFFF, v56  }
0x1d0: {  	v61 =	vnsel vm3, $0x0, v17;
	v17 =	vnsel vm1, $0x0, v17;
	(erf) = vrcp.f32 v5  }
0x1d1: {  	v13 =	vor.u32 v18, v13;
	v18 =	vor.u32 v19, v61;
	v17 =	vor.u32 v62, v17  }
0x1d2: {  	v19 =	vxor.u32 $0xFFFFFFFF, v13;
	v18 =	vandn.u32 v18, v13;
	v17 =	vand.u32 v17, v13  }
0x1d3: {  	s29 =	simm.s32 $0x0;
	v15 =	vor.u32 v15, v58;
	v16 =	vxor.u32 v19, v18;
	v13 =	vxor.u32 v13, v17  }
0x1d4: {  	v16 =	vor.u32 v15, v16;
	v13 =	vor.u32 v14, v13;
	v7 =	vshll.u32 v1, s29  }
0x1d5: {  	v14 =	vor.u32 v21, v18;
	v15 =	vor.u32 v63, v17;
	v8 =	vand.u32 v16, v7  }
0x1d6: {  	v9 =	vand.u32 v15, v7;
	vm12 =	veq.s32 v8, $0x0;
	v8 =	vand.u32 v14, v7  }
0x1d7: {  	v7 =	vand.u32 v13, v7;
	v10 =	vsel vm12, $0x7F7FC99E, v4;
	vm13 =	veq.s32 v8, $0x0  }
0x1d8: {  	vm14 =	veq.s32 v7, $0x0;
	v8 =	vmin.f32 v6, v10;
	v10 =	vsel vm13, $0x7F7FC99E, v2  }
0x1d9: {  	vm15 =	veq.s32 v9, $0x0;
	v7 =	vmin.f32 v8, v10;
	v8 =	vsel vm14, $0x7F7FC99E, v3;
	v5 =	vpop (erf)  }
0x1da: {  	s28 =	simm.s32 $0x1;
	v12 =	vor.u32 v17, v18;
	v8 =	vmin.f32 v7, v8;
	v9 =	vsel vm15, $0x7F7FC99E, v5  }
0x1db: {  	s26 =	simm.s32 $0x8800;
	v10 =	vshrl.u32 v12, s29;
	v7 =	vshll.u32 v1, s28;
	v8 =	vmin.f32 v8, v9  }
0x1dc: {  	s25 =	simm.s32 $0x8A00;
	s29 =	simm.s32 $0x2;
	v9 =	vand.u32 v16, v7;
	[tilespmem:s26+$0x0] =	vst v8;
	v8 =	vand.u32 $0x1, v10  }
.LBB2_10:
0x1dd: {  	p0 =	sne.s32 s29, $0x1F;
	vm0 =	veq.s32 v9, $0x0;
	v9 =	vand.u32 v14, v7;
	v10 =	vand.u32 v15, v7;
	[tilespmem:s25+$0x0] =	vst v8  }
0x1de: {  	v7 =	vand.u32 v13, v7;
	v8 =	vsel vm0, $0x7F7FC99E, v4;
	vm0 =	veq.s32 v9, $0x0  }
.Ltmp4:
0x1df: {  	v8 =	vmin.f32 v6, v8;
	v9 =	vsel vm0, $0x7F7FC99E, v2;
	vm0 =	veq.s32 v7, $0x0;
	(pc) =	sbr.rel @p0 .LBB2_10-.Ltmp4, $4  }
0x1e0: {  	v7 =	vmin.f32 v8, v9;
	v8 =	vsel vm0, $0x7F7FC99E, v3;
	vm0 =	veq.s32 v10, $0x0  }
0x1e1: {  	v8 =	vmin.f32 v7, v8;
	v9 =	vsel vm0, $0x7F7FC99E, v5  }
0x1e2: {  	s26 =	sadd.s32 $0x10, s26;
	v10 =	vshrl.u32 v12, s28;
	s28 =	smov.u32 s29;
	v7 =	vshll.u32 v1, s29;
	v8 =	vmin.f32 v8, v9  }
0x1e3: {  	s25 =	sadd.s32 $0x10, s25;
	s29 =	sadd.s32 $0x1, s29;
	v9 =	vand.u32 v16, v7;
	[tilespmem:s26+$0x0] =	vst v8;
	v8 =	vand.u32 $0x1, v10  }
0x1e4: {  	vm0 =	veq.s32 v9, $0x0;
	v62 =	vand.u32 v14, v7;
	v10 =	vand.u32 v15, v7  }
0x1e5: {  	v63 =	vand.u32 v13, v7;
	v4 =	vsel vm0, $0x7F7FC99E, v4;
	vm13 =	veq.s32 v62, $0x0  }
0x1e6: {  	vm14 =	veq.s32 v63, $0x0;
	v4 =	vmin.f32 v6, v4;
	v2 =	vsel vm13, $0x7F7FC99E, v2  }
0x1e7: {  	vm15 =	veq.s32 v10, $0x0;
	v3 =	vsel vm14, $0x7F7FC99E, v3;
	v2 =	vmin.f32 v4, v2  }
0x1e8: {  	v2 =	vmin.f32 v2, v3;
	v3 =	vsel vm15, $0x7F7FC99E, v5  }
0x1e9: {  	[tilespmem:s25+$0x0] =	vst v8;
	s26 =	sadd.s32 $0x10, s26;
	v2 =	vmin.f32 v2, v3;
	v3 =	vshrl.u32 v12, s28  }
0x1ea: {  	s31 =	sadd.s32 $0x10, s25;
	[tilespmem:s26+$0x0] =	vst v2;
	v2 =	vand.u32 $0x1, v3  }
0x1eb: {  	[tilespmem:s31+$0x0] =	vst v2  }
0x1ec: {  	[hbm4b:s8+s2] =	stream.linear.scatter [tilespmem:s22], [sflag:$0x5], $0x200, $0x38;
	[tilespmem:$0x8C00] =	vst v63  }
0x1ed: {  	s24 =	sadd.s32 $0x1, s24;
	_ =	swait.ge [sflag:s17], $0x200  }
0x1ee: {  	p0 =	sne.s32 s24, s10;
	[sflag:s17] =	ssyncset.done $0x0  }
.Ltmp5:
0x1ef: {  	[sflag:s17] =	ssyncadd.s32 $0xFFFFFE00;
	(pc) =	sbr.rel @p0 .LBB2_1-.Ltmp5, $4  }
0x1f0: {  	[hbm4b:s9+s2] =	stream.linear.scatter [tilespmem:s23], [sflag:$0x5], $0x200, $0x38;
	[tilespmem:$0x8C00] =	vst v63  }
0x1f1: {  	_ =	swait.ge [sflag:s17], $0x200  }
0x1f2: {  	[sflag:s17] =	ssyncset.done $0x0  }
0x1f3: {  	[sflag:s17] =	ssyncadd.s32 $0xFFFFFE00  }
0x1f4: {  	_ =	sfence.sel $0x180000  }
0x1f5: {  	[bflag:$0x0] =	sbarrier.arrive $0xFFFF  }
0x1f6: {  	p0 =	sne.s32 s1, $0x0;
	_ =	strace $0x90000047  }
0x1f7: {  	s0 =	sadd.s32 @!p0 $0x100000, s0;
	[bflag:$0x2] =	sbarrier.arrive $0xFFFF  }
0x1f8: {  	[sflag:s0] =	ssyncadd.tile.s32 @!p0 $0x1;
	_ =	shalt  }
.Lfunc_end2:
_tile_overlayer_lowered:
.L_overlay_start_2:
0x1f9: {  	(tag) =	ssettag $0x2  }
0x1fa: {  	s0 =	rddreg [dreg:$0x0];
	s2 =	stileid.u32  }
0x1fb: {  	s1 =	rddreg [dreg:$0x1];
	p0 =	sne.s32 s2, $0x0  }
0x1fc: {  	s3 =	rddreg [dreg:$0x2];
	[bflag:$0x3] =	sbarrier.arrive $0xFFFF;
	s2 =	simm.s32 @!p0 $0x1C05  }
0x1fd: {  	[timem:s3], [sflag:s2] =	dma.local @!p0 [hbm:s0], s1  }
0x1fe: {  	s0 =	simm.s32 @!p0 $0x5  }
0x1ff: {  	_ =	swait.ge @!p0 [sflag:s0], s1  }
0x200: {  	s1 =	ssub.s32 @!p0 $0x0, s1;
	[sflag:s0] =	ssyncset.done @!p0 $0x0  }
0x201: {  	[sflag:s0] =	ssyncadd.s32 @!p0 s1  }
0x202: {  	[bflag:$0x3] =	sbarrier.arrive $0xFFFF  }
0x203: {  	_ =	shalt  }

</sc_bundles>
